<compile_context>
chip_gen: v7x
topology: tpu7x:2x2x1
jax: 0.10.2.dev20260603
libtpu: 0.0.44.dev20260713+nightly
codegen_flags: <defaults>
</compile_context>

<pallas_src>
import functools

import jax
import jax.numpy as jnp
from jax import lax
from jax.experimental import pallas as pl
from jax.experimental.pallas import tpu as pltpu
from jax.experimental.pallas import tpu_sc as plsc

BS, N, K, D, INNER = 4, 2048, 16, 256, 64
POS_H = 64
ATT_H = INNER * 4
TBL = 128
BN1 = 256
BN3 = 512
CHUNK = 128



def _k1_body(x_ref, pn_ref, pt_ref, posf_ref, wqkv_ref, tbl_ref, idx_ref, rel_ref):
    b = pl.program_id(0)
    xb = x_ref[0]
    qkv = jnp.dot(xb, wqkv_ref[:], preferred_element_type=jnp.float32)
    d = qkv[:, 0:INNER] - qkv[:, INNER:2 * INNER]
    v = qkv[:, 2 * INNER:3 * INNER]
    tbl_ref[0, :, 0:INNER] = d
    tbl_ref[0, :, INNER:2 * INNER] = v

    pn = pn_ref[0]
    pt = pt_ref[0]
    x2i = jnp.sum(pn * pn, axis=1, keepdims=True)
    x2j = jnp.sum(pt * pt, axis=0, keepdims=True)
    pnq = pn.astype(jnp.bfloat16).astype(jnp.float32)
    ptq = pt.astype(jnp.bfloat16).astype(jnp.float32)
    dot = (pnq[:, 0:1] * ptq[0:1, :]
           + pnq[:, 1:2] * ptq[1:2, :]
           + pnq[:, 2:3] * ptq[2:3, :])
    dist = x2i + x2j - 2.0 * dot

    iota = lax.broadcasted_iota(jnp.int32, (BN1, N), 1)
    posf = posf_ref[0]
    cols = []
    for k in range(K):
        am = jnp.argmin(dist, axis=1)[:, None]
        cols.append(am)
        onehot = iota == am
        ohf = jnp.where(onehot, 1.0, 0.0)
        rel_ref[0, k] = jnp.dot(ohf, posf,
                                preferred_element_type=jnp.float32) - pn
        dist = jnp.where(onehot, jnp.float32(jnp.inf), dist)
    idx_ref[0] = jnp.concatenate(cols, axis=1) + b * N


def _k1(x, pos, pos_t, w_qkv):
    nb = N // BN1
    return pl.pallas_call(
        _k1_body,
        grid=(BS, nb),
        in_specs=[
            pl.BlockSpec((1, BN1, D), lambda b, i: (b, i, 0)),
            pl.BlockSpec((1, BN1, 3), lambda b, i: (b, i, 0)),
            pl.BlockSpec((1, 3, N), lambda b, i: (b, 0, 0)),
            pl.BlockSpec((1, N, 3), lambda b, i: (b, 0, 0)),
            pl.BlockSpec((D, 3 * INNER), lambda b, i: (0, 0)),
        ],
        out_specs=[
            pl.BlockSpec((1, BN1, TBL), lambda b, i: (b, i, 0)),
            pl.BlockSpec((1, BN1, K), lambda b, i: (b, i, 0)),
            pl.BlockSpec((1, K, BN1, 3), lambda b, i: (b, 0, i, 0)),
        ],
        out_shape=[
            jax.ShapeDtypeStruct((BS, N, TBL), jnp.float32),
            jax.ShapeDtypeStruct((BS, N, K), jnp.int32),
            jax.ShapeDtypeStruct((BS, K, N, 3), jnp.float32),
        ],
    )(x, pos, pos_t, pos, w_qkv)



def _k2(table, idx_flat):
    info = plsc.get_sparse_core_info()
    nw = info.num_cores * info.num_subcores
    total = idx_flat.shape[0]
    per_w = total // nw
    nchunk = per_w // CHUNK
    mesh = plsc.VectorSubcoreMesh(core_axis_name="c", subcore_axis_name="s")

    @functools.partial(
        pl.kernel,
        mesh=mesh,
        out_type=jax.ShapeDtypeStruct((total, TBL), jnp.float32),
        scratch_types=[
            pltpu.VMEM((per_w,), jnp.int32),
            pltpu.VMEM((CHUNK, TBL), jnp.float32),
            pltpu.VMEM((CHUNK, TBL), jnp.float32),
            pltpu.SemaphoreType.DMA,
            pltpu.SemaphoreType.DMA,
        ],
    )
    def gather(tbl_hbm, idx_hbm, out_hbm, idx_v, rows0, rows1, sem0, sem1):
        wid = lax.axis_index("s") * info.num_cores + lax.axis_index("c")
        w_base = wid * per_w
        bufs = (rows0, rows1)
        sems = (sem0, sem1)

        pltpu.sync_copy(idx_hbm.at[pl.ds(w_base, per_w)], idx_v)
        for b in range(2):
            pltpu.async_copy(
                tbl_hbm.at[idx_v.at[pl.ds(b * CHUNK, CHUNK)]], bufs[b], sems[b])

        def body(c0, carry):
            for b in range(2):
                c = c0 + b
                pltpu.make_async_copy(
                    tbl_hbm.at[idx_v.at[pl.ds(c * CHUNK, CHUNK)]],
                    bufs[b], sems[b]).wait()
                pltpu.sync_copy(
                    bufs[b], out_hbm.at[pl.ds(w_base + c * CHUNK, CHUNK)])

                @pl.when(c + 2 < nchunk)
                def _():
                    pltpu.async_copy(
                        tbl_hbm.at[idx_v.at[pl.ds((c + 2) * CHUNK, CHUNK)]],
                        bufs[b], sems[b])
            return carry

        lax.fori_loop(0, nchunk // 2, lambda i, carry: body(i * 2, carry), 0)

    return gather(table, idx_flat)



def _k3_body(g_ref, rel_ref, w1_ref, b1_ref, w2_ref, b2_ref,
             wa1_ref, ba1_ref, wa2_ref, ba2_ref, wo_ref, bo_ref, out_ref):
    R = K * BN3
    g = g_ref[0].reshape(R, TBL)
    dd = g[:, 0:INNER]
    vv = g[:, INNER:2 * INNER]
    rel = rel_ref[0].reshape(R, 3)
    h1 = (b1_ref[:]
          + rel[:, 0:1] * w1_ref[0:1, :]
          + rel[:, 1:2] * w1_ref[1:2, :]
          + rel[:, 2:3] * w1_ref[2:3, :])
    h1 = jnp.maximum(h1, 0.0)
    bf = jnp.bfloat16
    rpe = jnp.dot(h1.astype(bf), w2_ref[:].astype(bf),
                  preferred_element_type=jnp.float32) + b2_ref[:]
    e = dd + rpe
    h2 = jnp.maximum(
        jnp.dot(e.astype(bf), wa1_ref[:].astype(bf),
                preferred_element_type=jnp.float32) + ba1_ref[:],
        0.0)
    sim = jnp.dot(h2.astype(bf), wa2_ref[:].astype(bf),
                  preferred_element_type=jnp.float32) + ba2_ref[:]
    m = jnp.max(sim, axis=1, keepdims=True)
    ex = jnp.exp(sim - m)
    a = ex / jnp.sum(ex, axis=1, keepdims=True)
    s2 = jnp.sum((a * a).reshape(K, BN3, INNER), axis=0)
    agg = jnp.sum((a * (vv + rpe)).reshape(K, BN3, INNER), axis=0)
    inv = 1.0 / jnp.maximum(jnp.sqrt(s2), 1e-12)
    out_ref[0] = (jnp.dot(agg * inv, wo_ref[:], preferred_element_type=jnp.float32)
                  + bo_ref[:])


def _k3(g, rel, w_pos1, b_pos1, w_pos2, b_pos2,
        w_att1, b_att1, w_att2, b_att2, w_out, b_out):
    nb = N // BN3
    full = lambda r, c: pl.BlockSpec((r, c), lambda b, i: (0, 0))
    return pl.pallas_call(
        _k3_body,
        grid=(BS, nb),
        in_specs=[
            pl.BlockSpec((1, K, BN3, TBL), lambda b, i: (b, 0, i, 0)),
            pl.BlockSpec((1, K, BN3, 3), lambda b, i: (b, 0, i, 0)),
            full(3, POS_H), full(1, POS_H),
            full(POS_H, INNER), full(1, INNER),
            full(INNER, ATT_H), full(1, ATT_H),
            full(ATT_H, INNER), full(1, INNER),
            full(INNER, D), full(1, D),
        ],
        out_specs=pl.BlockSpec((1, BN3, D), lambda b, i: (b, i, 0)),
        out_shape=jax.ShapeDtypeStruct((BS, N, D), jnp.float32),
    )(g, rel, w_pos1, b_pos1, w_pos2, b_pos2,
      w_att1, b_att1, w_att2, b_att2, w_out, b_out)



def kernel(x, mask, pos, w_qkv, w_pos1, b_pos1, w_pos2, b_pos2,
           w_att1, b_att1, w_att2, b_att2, w_out, b_out):
    pos_t = jnp.transpose(pos, (0, 2, 1))
    table, idx, rel = _k1(x, pos, pos_t, w_qkv)
    idx_t = jnp.transpose(idx, (0, 2, 1))
    g = _k2(table.reshape(BS * N, TBL), idx_t.reshape(-1))
    out = _k3(g.reshape(BS, K, N, TBL), rel,
              w_pos1, b_pos1.reshape(1, POS_H),
              w_pos2, b_pos2.reshape(1, INNER),
              w_att1, b_att1.reshape(1, ATT_H),
              w_att2, b_att2.reshape(1, INNER),
              w_out, b_out.reshape(1, D))
    return out

# --- scband reference (transcript-rebuilt; emitter-appended) ---
"""Pipeline reference for scband-point-transformer-layer-83219286327741 (READ-ONLY COPY).

The authoritative reference and input builder live on the scoring server;
editing this copy changes nothing except your own understanding.
"""

import jax, jax.numpy as jnp
import numpy as np

BS, N, K, D, INNER = 4, 2048, 16, 256, 64
POS_H = 64
ATT_H = INNER * 4


def setup_inputs(seed: int = 0) -> dict:
    key = jax.random.key(seed)
    ks = jax.random.split(key, 16)
    s = 0.05
    inp = {}
    inp['x'] = jax.random.normal(ks[0], (BS, N, D), dtype=jnp.float32)
    inp['mask'] = jnp.ones((BS, N), dtype=bool)
    inp['pos'] = jax.random.normal(ks[1], (BS, N, 3), dtype=jnp.float32)
    inp['w_qkv'] = jax.random.normal(ks[2], (D, 3 * INNER), dtype=jnp.float32) * s
    inp['w_pos1'] = jax.random.normal(ks[3], (3, POS_H), dtype=jnp.float32) * s
    inp['b_pos1'] = jnp.zeros((POS_H,), dtype=jnp.float32)
    inp['w_pos2'] = jax.random.normal(ks[4], (POS_H, INNER), dtype=jnp.float32) * s
    inp['b_pos2'] = jnp.zeros((INNER,), dtype=jnp.float32)
    inp['w_att1'] = jax.random.normal(ks[5], (INNER, ATT_H), dtype=jnp.float32) * s
    inp['b_att1'] = jnp.zeros((ATT_H,), dtype=jnp.float32)
    inp['w_att2'] = jax.random.normal(ks[6], (ATT_H, INNER), dtype=jnp.float32) * s
    inp['b_att2'] = jnp.zeros((INNER,), dtype=jnp.float32)
    inp['w_out'] = jax.random.normal(ks[7], (INNER, D), dtype=jnp.float32) * s
    inp['b_out'] = jnp.zeros((D,), dtype=jnp.float32)
    return inp


def _knn_idx(pos, k):
    # pos: [bs, n, 3] -> flat indices into [bs*n] of k nearest neighbors per point
    bs, n, _ = pos.shape
    x2 = jnp.sum(pos * pos, axis=-1)
    dist = x2[:, :, None] + x2[:, None, :] - 2.0 * jnp.einsum('bid,bjd->bij', pos, pos)
    _, idx = jax.lax.top_k(-dist, k)  # [bs, n, k], nearest (incl. self)
    offs = (jnp.arange(bs) * n)[:, None, None]
    return (idx + offs).reshape(-1)


def reference(x, mask, pos, w_qkv, w_pos1, b_pos1, w_pos2, b_pos2, w_att1, b_att1, w_att2, b_att2, w_out, b_out):
    bs, n, _ = x.shape
    k = K
    qkv = x @ w_qkv
    q, kk, v = jnp.split(qkv, 3, axis=-1)
    idx = _knn_idx(pos, k)
    pos_nn = pos.reshape(bs * n, 3)[idx].reshape(bs, n, k, 3)
    rel = pos_nn - pos[:, :, None, :]
    h = jnp.maximum(rel @ w_pos1 + b_pos1, 0.0)
    rel_pos_emb = h @ w_pos2 + b_pos2
    qn = q.reshape(bs * n, INNER)[idx].reshape(bs, n, k, INNER)
    kn = kk.reshape(bs * n, INNER)[idx].reshape(bs, n, k, INNER)
    qk_rel = qn - kn
    vn = v.reshape(bs * n, INNER)[idx].reshape(bs, n, k, INNER) + rel_pos_emb
    h2 = jnp.maximum((qk_rel + rel_pos_emb) @ w_att1 + b_att1, 0.0)
    sim = h2 @ w_att2 + b_att2
    mask_j = mask.reshape(-1)[idx].reshape(bs, n, k)
    m = mask[:, :, None] & mask_j
    sim = jnp.where(m[..., None], sim, -jnp.finfo(sim.dtype).max)
    attn = jax.nn.softmax(sim, axis=-1)
    attn = attn / jnp.maximum(jnp.linalg.norm(attn, axis=-2, keepdims=True), 1e-12)
    agg = jnp.einsum('bijd,bijd->bid', attn, vn)
    return agg @ w_out + b_out

if __name__ == "__main__":
    import jax
    _d = setup_inputs()
    print(jax.jit(kernel)(*tuple(_d.values())))

</pallas_src>

<mosaic_0001>
#map = affine_map<(d0, d1) -> (0, 0)>
#map1 = affine_map<(d0, d1) -> (0)>
module attributes {stable_mosaic.version = 14 : i64} {
  func.func @gather(%arg0: i32, %arg1: i32, %arg2: memref<8192x128xf32, #tpu.memory_space<hbm>>, %arg3: memref<131072xi32, #tpu.memory_space<hbm>>, %arg4: memref<131072x128xf32, #tpu.memory_space<hbm>>, %arg5: memref<4096xi32, #tpu.memory_space<vmem>>, %arg6: memref<128x128xf32, #tpu.memory_space<vmem>>, %arg7: memref<128x128xf32, #tpu.memory_space<vmem>>, %arg8: memref<!tpu.dma_semaphore, #tpu.memory_space<semaphore_mem>>, %arg9: memref<!tpu.dma_semaphore, #tpu.memory_space<semaphore_mem>>) attributes {dimension_semantics = [#tpu.dimension_semantics<core_parallel>, #tpu.dimension_semantics<subcore_parallel>], iteration_bounds = array<i64: 2, 16>, scalar_prefetch = 0 : i64, scratch_operands = 5 : i64, tpu.core_type = #tpu.core_type<sc_vector_subcore>, window_params = [{transform_indices = #map}, {transform_indices = #map1}, {transform_indices = #map}]} {
    %mul3A = arith.constant 2 : i32
    %mul3A_0 = arith.muli %arg1, %mul3A : i32
    %add3A = arith.addi %mul3A_0, %arg0 : i32
    %mul3A_1 = arith.constant 4096 : i32
    %mul3A_2 = arith.muli %add3A, %mul3A_1 : i32
    "tpu.region"() ({
      %run_scoped3A = tpu.sem_alloc : memref<!tpu.dma_semaphore, #tpu.memory_space<semaphore_mem>>
      %dma_start3A_17 = tpu.memref_slice %arg3[%mul3A_2] : memref<131072xi32, #tpu.memory_space<hbm>> -> memref<4096xi32, #tpu.memory_space<hbm>>
      %dma_start3A_18 = tpu.memref_slice %arg3[%mul3A_2] : memref<131072xi32, #tpu.memory_space<hbm>> -> memref<4096xi32, #tpu.memory_space<hbm>>
      tpu.enqueue_dma source(%dma_start3A_18 : memref<4096xi32, #tpu.memory_space<hbm>>) target(%arg5 : memref<4096xi32, #tpu.memory_space<vmem>>) target_semaphore(%run_scoped3A : memref<!tpu.dma_semaphore, #tpu.memory_space<semaphore_mem>>)
      %dma_wait3A = tpu.memref_slice %arg3[%mul3A_2] : memref<131072xi32, #tpu.memory_space<hbm>> -> memref<4096xi32, #tpu.memory_space<hbm>>
      %dma_wait3A_19 = tpu.memref_slice %arg3[%mul3A_2] : memref<131072xi32, #tpu.memory_space<hbm>> -> memref<4096xi32, #tpu.memory_space<hbm>>
      tpu.wait_dma2 semaphore(%run_scoped3A : memref<!tpu.dma_semaphore, #tpu.memory_space<semaphore_mem>>) src(%dma_wait3A_19 : memref<4096xi32, #tpu.memory_space<hbm>>) dst(%arg5 : memref<4096xi32, #tpu.memory_space<vmem>>)
      tpu.yield
    }) : () -> ()
    %dma_start3A = arith.constant 0 : i32
    %dma_start3A_3 = tpu.memref_slice %arg5[%dma_start3A] : memref<4096xi32, #tpu.memory_space<vmem>> -> memref<128xi32, #tpu.memory_space<vmem>>
    %dma_start3A_4 = arith.constant 0 : i32
    %dma_start3A_5 = arith.constant 0 : i32
    %dma_start3A_6 = tpu.memref_slice %arg2[%dma_start3A_4, %dma_start3A_5] : memref<8192x128xf32, #tpu.memory_space<hbm>> -> memref<8192x128xf32, #tpu.memory_space<hbm>>
    tpu.enqueue_indirect_dma source(%dma_start3A_6 : memref<8192x128xf32, #tpu.memory_space<hbm>>) target(%arg6 : memref<128x128xf32, #tpu.memory_space<vmem>>) offsets(%dma_start3A_3 : memref<128xi32, #tpu.memory_space<vmem>>) semaphore(%arg8 : memref<!tpu.dma_semaphore, #tpu.memory_space<semaphore_mem>>)
    %dma_start3A_7 = arith.constant 128 : i32
    %dma_start3A_8 = tpu.memref_slice %arg5[%dma_start3A_7] : memref<4096xi32, #tpu.memory_space<vmem>> -> memref<128xi32, #tpu.memory_space<vmem>>
    %dma_start3A_9 = arith.constant 0 : i32
    %dma_start3A_10 = arith.constant 0 : i32
    %dma_start3A_11 = tpu.memref_slice %arg2[%dma_start3A_9, %dma_start3A_10] : memref<8192x128xf32, #tpu.memory_space<hbm>> -> memref<8192x128xf32, #tpu.memory_space<hbm>>
    tpu.enqueue_indirect_dma source(%dma_start3A_11 : memref<8192x128xf32, #tpu.memory_space<hbm>>) target(%arg7 : memref<128x128xf32, #tpu.memory_space<vmem>>) offsets(%dma_start3A_8 : memref<128xi32, #tpu.memory_space<vmem>>) semaphore(%arg9 : memref<!tpu.dma_semaphore, #tpu.memory_space<semaphore_mem>>)
    %scan3A = arith.constant 0 : i32
    %scan3A_12 = arith.constant 0 : i32
    %scan3A_13 = arith.constant 16 : i32
    %scan3A_14 = arith.addi %scan3A_12, %scan3A_13 : i32
    %scan3A_15 = arith.constant 1 : i32
    scf.for %scan3A_17 = %scan3A_12 to %scan3A_14 step %scan3A_15  : i32 {
      %mul3A_18 = arith.constant 2 : i32
      %mul3A_19 = arith.muli %scan3A_17, %mul3A_18 : i32
      %add3A_20 = arith.constant 0 : i32
      %add3A_21 = arith.addi %mul3A_19, %add3A_20 : i32
      %mul3A_22 = arith.constant 128 : i32
      %mul3A_23 = arith.muli %add3A_21, %mul3A_22 : i32
      %dma_wait3A = tpu.memref_slice %arg5[%mul3A_23] : memref<4096xi32, #tpu.memory_space<vmem>> -> memref<128xi32, #tpu.memory_space<vmem>>
      %dma_wait3A_24 = arith.constant 0 : i32
      %dma_wait3A_25 = arith.constant 0 : i32
      %dma_wait3A_26 = tpu.memref_slice %arg2[%dma_wait3A_24, %dma_wait3A_25] : memref<8192x128xf32, #tpu.memory_space<hbm>> -> memref<8192x128xf32, #tpu.memory_space<hbm>>
      tpu.wait_indirect_dma semaphore(%arg8 : memref<!tpu.dma_semaphore, #tpu.memory_space<semaphore_mem>>) src(%dma_wait3A_26 : memref<8192x128xf32, #tpu.memory_space<hbm>>) dst(%arg6 : memref<128x128xf32, #tpu.memory_space<vmem>>)
      %mul3A_27 = arith.constant 128 : i32
      %mul3A_28 = arith.muli %add3A_21, %mul3A_27 : i32
      %add3A_29 = arith.addi %mul3A_2, %mul3A_28 : i32
      "tpu.region"() ({
        %run_scoped3A = tpu.sem_alloc : memref<!tpu.dma_semaphore, #tpu.memory_space<semaphore_mem>>
        %dma_start3A_52 = arith.constant 0 : i32
        %dma_start3A_53 = tpu.memref_slice %arg4[%add3A_29, %dma_start3A_52] : memref<131072x128xf32, #tpu.memory_space<hbm>> -> memref<128x128xf32, #tpu.memory_space<hbm>>
        %dma_start3A_54 = arith.constant 0 : i32
        %dma_start3A_55 = tpu.memref_slice %arg4[%add3A_29, %dma_start3A_54] : memref<131072x128xf32, #tpu.memory_space<hbm>> -> memref<128x128xf32, #tpu.memory_space<hbm>>
        tpu.enqueue_dma source(%arg6 : memref<128x128xf32, #tpu.memory_space<vmem>>) target(%dma_start3A_55 : memref<128x128xf32, #tpu.memory_space<hbm>>) target_semaphore(%run_scoped3A : memref<!tpu.dma_semaphore, #tpu.memory_space<semaphore_mem>>)
        %dma_wait3A_56 = arith.constant 0 : i32
        %dma_wait3A_57 = tpu.memref_slice %arg4[%add3A_29, %dma_wait3A_56] : memref<131072x128xf32, #tpu.memory_space<hbm>> -> memref<128x128xf32, #tpu.memory_space<hbm>>
        %dma_wait3A_58 = arith.constant 0 : i32
        %dma_wait3A_59 = tpu.memref_slice %arg4[%add3A_29, %dma_wait3A_58] : memref<131072x128xf32, #tpu.memory_space<hbm>> -> memref<128x128xf32, #tpu.memory_space<hbm>>
        tpu.wait_dma2 semaphore(%run_scoped3A : memref<!tpu.dma_semaphore, #tpu.memory_space<semaphore_mem>>) src(%arg6 : memref<128x128xf32, #tpu.memory_space<vmem>>) dst(%dma_wait3A_59 : memref<128x128xf32, #tpu.memory_space<hbm>>)
        tpu.yield
      }) : () -> ()
      %add3A_30 = arith.constant 2 : i32
      %add3A_31 = arith.addi %add3A_21, %add3A_30 : i32
      %lt3A = arith.constant 32 : i32
      %lt3A_32 = arith.cmpi slt, %add3A_31, %lt3A : i32
      %convert_element_type3A = arith.extui %lt3A_32 : i1 to i32
      %cond3A = arith.constant 0 : i32
      %cond3A_33 = arith.cmpi ne, %convert_element_type3A, %cond3A : i32
      scf.if %cond3A_33 {
        %add3A_52 = arith.constant 2 : i32
        %add3A_53 = arith.addi %add3A_21, %add3A_52 : i32
        %mul3A_54 = arith.constant 128 : i32
        %mul3A_55 = arith.muli %add3A_53, %mul3A_54 : i32
        %dma_start3A_56 = tpu.memref_slice %arg5[%mul3A_55] : memref<4096xi32, #tpu.memory_space<vmem>> -> memref<128xi32, #tpu.memory_space<vmem>>
        %dma_start3A_57 = arith.constant 0 : i32
        %dma_start3A_58 = arith.constant 0 : i32
        %dma_start3A_59 = tpu.memref_slice %arg2[%dma_start3A_57, %dma_start3A_58] : memref<8192x128xf32, #tpu.memory_space<hbm>> -> memref<8192x128xf32, #tpu.memory_space<hbm>>
        tpu.enqueue_indirect_dma source(%dma_start3A_59 : memref<8192x128xf32, #tpu.memory_space<hbm>>) target(%arg6 : memref<128x128xf32, #tpu.memory_space<vmem>>) offsets(%dma_start3A_56 : memref<128xi32, #tpu.memory_space<vmem>>) semaphore(%arg8 : memref<!tpu.dma_semaphore, #tpu.memory_space<semaphore_mem>>)
      } else {
      }
      %add3A_34 = arith.constant 1 : i32
      %add3A_35 = arith.addi %mul3A_19, %add3A_34 : i32
      %mul3A_36 = arith.constant 128 : i32
      %mul3A_37 = arith.muli %add3A_35, %mul3A_36 : i32
      %dma_wait3A_38 = tpu.memref_slice %arg5[%mul3A_37] : memref<4096xi32, #tpu.memory_space<vmem>> -> memref<128xi32, #tpu.memory_space<vmem>>
      %dma_wait3A_39 = arith.constant 0 : i32
      %dma_wait3A_40 = arith.constant 0 : i32
      %dma_wait3A_41 = tpu.memref_slice %arg2[%dma_wait3A_39, %dma_wait3A_40] : memref<8192x128xf32, #tpu.memory_space<hbm>> -> memref<8192x128xf32, #tpu.memory_space<hbm>>
      tpu.wait_indirect_dma semaphore(%arg9 : memref<!tpu.dma_semaphore, #tpu.memory_space<semaphore_mem>>) src(%dma_wait3A_41 : memref<8192x128xf32, #tpu.memory_space<hbm>>) dst(%arg7 : memref<128x128xf32, #tpu.memory_space<vmem>>)
      %mul3A_42 = arith.constant 128 : i32
      %mul3A_43 = arith.muli %add3A_35, %mul3A_42 : i32
      %add3A_44 = arith.addi %mul3A_2, %mul3A_43 : i32
      "tpu.region"() ({
        %run_scoped3A = tpu.sem_alloc : memref<!tpu.dma_semaphore, #tpu.memory_space<semaphore_mem>>
        %dma_start3A_52 = arith.constant 0 : i32
        %dma_start3A_53 = tpu.memref_slice %arg4[%add3A_44, %dma_start3A_52] : memref<131072x128xf32, #tpu.memory_space<hbm>> -> memref<128x128xf32, #tpu.memory_space<hbm>>
        %dma_start3A_54 = arith.constant 0 : i32
        %dma_start3A_55 = tpu.memref_slice %arg4[%add3A_44, %dma_start3A_54] : memref<131072x128xf32, #tpu.memory_space<hbm>> -> memref<128x128xf32, #tpu.memory_space<hbm>>
        tpu.enqueue_dma source(%arg7 : memref<128x128xf32, #tpu.memory_space<vmem>>) target(%dma_start3A_55 : memref<128x128xf32, #tpu.memory_space<hbm>>) target_semaphore(%run_scoped3A : memref<!tpu.dma_semaphore, #tpu.memory_space<semaphore_mem>>)
        %dma_wait3A_56 = arith.constant 0 : i32
        %dma_wait3A_57 = tpu.memref_slice %arg4[%add3A_44, %dma_wait3A_56] : memref<131072x128xf32, #tpu.memory_space<hbm>> -> memref<128x128xf32, #tpu.memory_space<hbm>>
        %dma_wait3A_58 = arith.constant 0 : i32
        %dma_wait3A_59 = tpu.memref_slice %arg4[%add3A_44, %dma_wait3A_58] : memref<131072x128xf32, #tpu.memory_space<hbm>> -> memref<128x128xf32, #tpu.memory_space<hbm>>
        tpu.wait_dma2 semaphore(%run_scoped3A : memref<!tpu.dma_semaphore, #tpu.memory_space<semaphore_mem>>) src(%arg7 : memref<128x128xf32, #tpu.memory_space<vmem>>) dst(%dma_wait3A_59 : memref<128x128xf32, #tpu.memory_space<hbm>>)
        tpu.yield
      }) : () -> ()
      %add3A_45 = arith.constant 2 : i32
      %add3A_46 = arith.addi %add3A_35, %add3A_45 : i32
      %lt3A_47 = arith.constant 32 : i32
      %lt3A_48 = arith.cmpi slt, %add3A_46, %lt3A_47 : i32
      %convert_element_type3A_49 = arith.extui %lt3A_48 : i1 to i32
      %cond3A_50 = arith.constant 0 : i32
      %cond3A_51 = arith.cmpi ne, %convert_element_type3A_49, %cond3A_50 : i32
      scf.if %cond3A_51 {
        %add3A_52 = arith.constant 2 : i32
        %add3A_53 = arith.addi %add3A_35, %add3A_52 : i32
        %mul3A_54 = arith.constant 128 : i32
        %mul3A_55 = arith.muli %add3A_53, %mul3A_54 : i32
        %dma_start3A_56 = tpu.memref_slice %arg5[%mul3A_55] : memref<4096xi32, #tpu.memory_space<vmem>> -> memref<128xi32, #tpu.memory_space<vmem>>
        %dma_start3A_57 = arith.constant 0 : i32
        %dma_start3A_58 = arith.constant 0 : i32
        %dma_start3A_59 = tpu.memref_slice %arg2[%dma_start3A_57, %dma_start3A_58] : memref<8192x128xf32, #tpu.memory_space<hbm>> -> memref<8192x128xf32, #tpu.memory_space<hbm>>
        tpu.enqueue_indirect_dma source(%dma_start3A_59 : memref<8192x128xf32, #tpu.memory_space<hbm>>) target(%arg7 : memref<128x128xf32, #tpu.memory_space<vmem>>) offsets(%dma_start3A_56 : memref<128xi32, #tpu.memory_space<vmem>>) semaphore(%arg9 : memref<!tpu.dma_semaphore, #tpu.memory_space<semaphore_mem>>)
      } else {
      }
    }
    %scan3A_16 = arith.constant 16 : i32
    return
  }
}

module attributes {stable_mosaic.version = 14 : i64} {
  func.func @_k1_body(%arg0: i32, %arg1: i32, %arg2: memref<1x256x256xf32, #tpu.memory_space<vmem>>, %arg3: memref<1x256x3xf32, #tpu.memory_space<vmem>>, %arg4: memref<1x3x2048xf32, #tpu.memory_space<vmem>>, %arg5: memref<1x2048x3xf32, #tpu.memory_space<vmem>>, %arg6: memref<256x192xf32, #tpu.memory_space<vmem>>, %arg7: memref<1x256x128xf32, #tpu.memory_space<vmem>>, %arg8: memref<1x256x16xi32, #tpu.memory_space<vmem>>, %arg9: memref<1x16x256x3xf32, #tpu.memory_space<vmem>>) attributes {dimension_semantics = [#tpu.dimension_semantics<arbitrary>, #tpu.dimension_semantics<arbitrary>], iteration_bounds = array<i64: 4, 8>, scalar_prefetch = 0 : i64, scratch_operands = 0 : i64, tpu.core_type = #tpu.core_type<tc>, window_params = [{transform_indices = @transform_0, window_bounds = array<i64: 1, 256, 256>}, {transform_indices = @transform_1, window_bounds = array<i64: 1, 256, 3>}, {transform_indices = @transform_2, window_bounds = array<i64: 1, 3, 2048>}, {transform_indices = @transform_3, window_bounds = array<i64: 1, 2048, 3>}, {pipeline_mode = #tpu.pipeline_mode<synchronous>, transform_indices = @transform_4, window_bounds = array<i64: 256, 192>}, {transform_indices = @transform_5, window_bounds = array<i64: 1, 256, 128>}, {transform_indices = @transform_6, window_bounds = array<i64: 1, 256, 16>}, {transform_indices = @transform_7, window_bounds = array<i64: 1, 16, 256, 3>}]} {
    %get3A = arith.constant 0 : index
    %get3A_0 = arith.constant 0 : index
    %get3A_1 = arith.constant 0 : index
    %get3A_2 = vector.load %arg2[%get3A, %get3A_0, %get3A_1] : memref<1x256x256xf32, #tpu.memory_space<vmem>>, vector<1x256x256xf32>
    %get3A_3 = vector.shape_cast %get3A_2 : vector<1x256x256xf32> to vector<256x256xf32>
    %get3A_4 = arith.constant 0 : index
    %get3A_5 = arith.constant 0 : index
    %get3A_6 = vector.load %arg6[%get3A_4, %get3A_5] : memref<256x192xf32, #tpu.memory_space<vmem>>, vector<256x192xf32>
    %dot_general3A = arith.constant dense<0.000000e+00> : vector<256x192xf32>
    %dot_general3A_7 = tpu.matmul %get3A_3, %get3A_6, %dot_general3A {dimension_numbers = #tpu.dot_dimension_numbers<[1], [0], [0], [1], [0, 0, 1, 1], [], []>, transpose_lhs_hint = false} : vector<256x256xf32>, vector<256x192xf32>, vector<256x192xf32> -> vector<256x192xf32>
    %slice3A = vector.extract_strided_slice %dot_general3A_7 {offsets = [0, 0], sizes = [256, 64], strides = [1, 1]} : vector<256x192xf32> to vector<256x64xf32>
    %slice3A_8 = vector.extract_strided_slice %dot_general3A_7 {offsets = [0, 64], sizes = [256, 64], strides = [1, 1]} : vector<256x192xf32> to vector<256x64xf32>
    %sub3A = arith.subf %slice3A, %slice3A_8 : vector<256x64xf32>
    %slice3A_9 = vector.extract_strided_slice %dot_general3A_7 {offsets = [0, 128], sizes = [256, 64], strides = [1, 1]} : vector<256x192xf32> to vector<256x64xf32>
    %swap3A = arith.constant 0 : index
    %swap3A_10 = arith.constant 0 : index
    %swap3A_11 = arith.constant 0 : index
    %swap3A_12 = vector.load %arg7[%swap3A, %swap3A_10, %swap3A_11] : memref<1x256x128xf32, #tpu.memory_space<vmem>>, vector<1x256x64xf32>
    %swap3A_13 = vector.shape_cast %swap3A_12 : vector<1x256x64xf32> to vector<256x64xf32>
    %swap3A_14 = vector.shape_cast %sub3A : vector<256x64xf32> to vector<1x256x64xf32>
    tpu.vector_store %arg7[%swap3A, %swap3A_10, %swap3A_11], %swap3A_14 {strides = array<i32>} : memref<1x256x128xf32, #tpu.memory_space<vmem>>, vector<1x256x64xf32>,
    %swap3A_15 = arith.constant 0 : index
    %swap3A_16 = arith.constant 0 : index
    %swap3A_17 = arith.constant 64 : index
    %swap3A_18 = vector.load %arg7[%swap3A_15, %swap3A_16, %swap3A_17] : memref<1x256x128xf32, #tpu.memory_space<vmem>>, vector<1x256x64xf32>
    %swap3A_19 = vector.shape_cast %swap3A_18 : vector<1x256x64xf32> to vector<256x64xf32>
    %swap3A_20 = vector.shape_cast %slice3A_9 : vector<256x64xf32> to vector<1x256x64xf32>
    tpu.vector_store %arg7[%swap3A_15, %swap3A_16, %swap3A_17], %swap3A_20 {strides = array<i32>} : memref<1x256x128xf32, #tpu.memory_space<vmem>>, vector<1x256x64xf32>,
    %get3A_21 = arith.constant 0 : index
    %get3A_22 = arith.constant 0 : index
    %get3A_23 = arith.constant 0 : index
    %get3A_24 = vector.load %arg3[%get3A_21, %get3A_22, %get3A_23] : memref<1x256x3xf32, #tpu.memory_space<vmem>>, vector<1x256x3xf32>
    %get3A_25 = vector.shape_cast %get3A_24 : vector<1x256x3xf32> to vector<256x3xf32>
    %get3A_26 = arith.constant 0 : index
    %get3A_27 = arith.constant 0 : index
    %get3A_28 = arith.constant 0 : index
    %get3A_29 = vector.load %arg4[%get3A_26, %get3A_27, %get3A_28] : memref<1x3x2048xf32, #tpu.memory_space<vmem>>, vector<1x3x2048xf32>
    %get3A_30 = vector.shape_cast %get3A_29 : vector<1x3x2048xf32> to vector<3x2048xf32>
    %mul3A = arith.mulf %get3A_25, %get3A_25 : vector<256x3xf32>
    %reduce_sum3A = arith.constant dense<0.000000e+00> : vector<256xf32>
    %reduce_sum3A_31 = vector.multi_reduction <add>, %mul3A, %reduce_sum3A [1] : vector<256x3xf32> to vector<256xf32>
    %broadcast_in_dim3A = vector.shape_cast %reduce_sum3A_31 : vector<256xf32> to vector<256x1xf32>
    %mul3A_32 = arith.mulf %get3A_30, %get3A_30 : vector<3x2048xf32>
    %reduce_sum3A_33 = arith.constant dense<0.000000e+00> : vector<2048xf32>
    %reduce_sum3A_34 = vector.multi_reduction <add>, %mul3A_32, %reduce_sum3A_33 [0] : vector<3x2048xf32> to vector<2048xf32>
    %broadcast_in_dim3A_35 = vector.shape_cast %reduce_sum3A_34 : vector<2048xf32> to vector<1x2048xf32>
    %convert_element_type3A = arith.truncf %get3A_25 : vector<256x3xf32> to vector<256x3xbf16>
    %convert_element_type3A_36 = arith.extf %convert_element_type3A : vector<256x3xbf16> to vector<256x3xf32>
    %convert_element_type3A_37 = arith.truncf %get3A_30 : vector<3x2048xf32> to vector<3x2048xbf16>
    %convert_element_type3A_38 = arith.extf %convert_element_type3A_37 : vector<3x2048xbf16> to vector<3x2048xf32>
    %slice3A_39 = vector.extract_strided_slice %convert_element_type3A_36 {offsets = [0, 0], sizes = [256, 1], strides = [1, 1]} : vector<256x3xf32> to vector<256x1xf32>
    %slice3A_40 = vector.extract_strided_slice %convert_element_type3A_38 {offsets = [0, 0], sizes = [1, 2048], strides = [1, 1]} : vector<3x2048xf32> to vector<1x2048xf32>
    %mul3A_41 = vector.broadcast %slice3A_39 : vector<256x1xf32> to vector<256x2048xf32>
    %mul3A_42 = vector.broadcast %slice3A_40 : vector<1x2048xf32> to vector<256x2048xf32>
    %mul3A_43 = arith.mulf %mul3A_41, %mul3A_42 : vector<256x2048xf32>
    %slice3A_44 = vector.extract_strided_slice %convert_element_type3A_36 {offsets = [0, 1], sizes = [256, 1], strides = [1, 1]} : vector<256x3xf32> to vector<256x1xf32>
    %slice3A_45 = vector.extract_strided_slice %convert_element_type3A_38 {offsets = [1, 0], sizes = [1, 2048], strides = [1, 1]} : vector<3x2048xf32> to vector<1x2048xf32>
    %mul3A_46 = vector.broadcast %slice3A_44 : vector<256x1xf32> to vector<256x2048xf32>
    %mul3A_47 = vector.broadcast %slice3A_45 : vector<1x2048xf32> to vector<256x2048xf32>
    %mul3A_48 = arith.mulf %mul3A_46, %mul3A_47 : vector<256x2048xf32>
    %add3A = arith.addf %mul3A_43, %mul3A_48 : vector<256x2048xf32>
    %slice3A_49 = vector.extract_strided_slice %convert_element_type3A_36 {offsets = [0, 2], sizes = [256, 1], strides = [1, 1]} : vector<256x3xf32> to vector<256x1xf32>
    %slice3A_50 = vector.extract_strided_slice %convert_element_type3A_38 {offsets = [2, 0], sizes = [1, 2048], strides = [1, 1]} : vector<3x2048xf32> to vector<1x2048xf32>
    %mul3A_51 = vector.broadcast %slice3A_49 : vector<256x1xf32> to vector<256x2048xf32>
    %mul3A_52 = vector.broadcast %slice3A_50 : vector<1x2048xf32> to vector<256x2048xf32>
    %mul3A_53 = arith.mulf %mul3A_51, %mul3A_52 : vector<256x2048xf32>
    %add3A_54 = arith.addf %add3A, %mul3A_53 : vector<256x2048xf32>
    %add3A_55 = vector.broadcast %broadcast_in_dim3A : vector<256x1xf32> to vector<256x2048xf32>
    %add3A_56 = vector.broadcast %broadcast_in_dim3A_35 : vector<1x2048xf32> to vector<256x2048xf32>
    %add3A_57 = arith.addf %add3A_55, %add3A_56 : vector<256x2048xf32>
    %mul3A_58 = arith.constant 2.000000e+00 : f32
    %mul3A_59 = vector.broadcast %mul3A_58 : f32 to vector<256x2048xf32>
    %mul3A_60 = arith.mulf %mul3A_59, %add3A_54 : vector<256x2048xf32>
    %sub3A_61 = arith.subf %add3A_57, %mul3A_60 : vector<256x2048xf32>
    %iota3A = tpu.iota {dimensions = array<i32: 1>} : vector<256x2048xi32>
    %get3A_62 = arith.constant 0 : index
    %get3A_63 = arith.constant 0 : index
    %get3A_64 = arith.constant 0 : index
    %get3A_65 = vector.load %arg5[%get3A_62, %get3A_63, %get3A_64] : memref<1x2048x3xf32, #tpu.memory_space<vmem>>, vector<1x2048x3xf32>
    %get3A_66 = vector.shape_cast %get3A_65 : vector<1x2048x3xf32> to vector<2048x3xf32>
    %argmin3A = tpu.reduce_index %sub3A_61 {axis = 1 : i32, kind = #tpu.reduction_kind<arg_min>} : vector<256x2048xf32> -> vector<256xi32>
    %broadcast_in_dim3A_67 = vector.shape_cast %argmin3A : vector<256xi32> to vector<256x1xi32>
    %eq3A = vector.broadcast %broadcast_in_dim3A_67 : vector<256x1xi32> to vector<256x2048xi32>
    %eq3A_68 = arith.cmpi eq, %iota3A, %eq3A : vector<256x2048xi32>
    %jit3A = arith.constant 1.000000e+00 : f32
    %jit3A_69 = arith.constant 0.000000e+00 : f32
    %broadcast_in_dim3A_70 = vector.broadcast %jit3A : f32 to vector<256x2048xf32>
    %broadcast_in_dim3A_71 = vector.broadcast %jit3A_69 : f32 to vector<256x2048xf32>
    %select_n3A = arith.select %eq3A_68, %broadcast_in_dim3A_70, %broadcast_in_dim3A_71 : vector<256x2048xi1>, vector<256x2048xf32>
    %dot_general3A_72 = arith.constant dense<0.000000e+00> : vector<256x3xf32>
    %dot_general3A_73 = tpu.matmul %select_n3A, %get3A_66, %dot_general3A_72 {dimension_numbers = #tpu.dot_dimension_numbers<[1], [0], [0], [1], [0, 0, 1, 1], [], []>, transpose_lhs_hint = false} : vector<256x2048xf32>, vector<2048x3xf32>, vector<256x3xf32> -> vector<256x3xf32>
    %sub3A_74 = arith.subf %dot_general3A_73, %get3A_25 : vector<256x3xf32>
    %swap3A_75 = arith.constant 0 : index
    %swap3A_76 = arith.constant 0 : index
    %swap3A_77 = arith.constant 0 : index
    %swap3A_78 = arith.constant 0 : index
    %swap3A_79 = vector.load %arg9[%swap3A_75, %swap3A_76, %swap3A_77, %swap3A_78] : memref<1x16x256x3xf32, #tpu.memory_space<vmem>>, vector<1x1x256x3xf32>
    %swap3A_80 = vector.shape_cast %swap3A_79 : vector<1x1x256x3xf32> to vector<256x3xf32>
    %swap3A_81 = vector.shape_cast %sub3A_74 : vector<256x3xf32> to vector<1x1x256x3xf32>
    tpu.vector_store %arg9[%swap3A_75, %swap3A_76, %swap3A_77, %swap3A_78], %swap3A_81 {strides = array<i32>} : memref<1x16x256x3xf32, #tpu.memory_space<vmem>>, vector<1x1x256x3xf32>,
    %jit3A_82 = arith.constant 0x7F800000 : f32
    %broadcast_in_dim3A_83 = vector.broadcast %jit3A_82 : f32 to vector<256x2048xf32>
    %select_n3A_84 = arith.select %eq3A_68, %broadcast_in_dim3A_83, %sub3A_61 : vector<256x2048xi1>, vector<256x2048xf32>
    %argmin3A_85 = tpu.reduce_index %select_n3A_84 {axis = 1 : i32, kind = #tpu.reduction_kind<arg_min>} : vector<256x2048xf32> -> vector<256xi32>
    %broadcast_in_dim3A_86 = vector.shape_cast %argmin3A_85 : vector<256xi32> to vector<256x1xi32>
    %eq3A_87 = vector.broadcast %broadcast_in_dim3A_86 : vector<256x1xi32> to vector<256x2048xi32>
    %eq3A_88 = arith.cmpi eq, %iota3A, %eq3A_87 : vector<256x2048xi32>
    %jit3A_89 = arith.constant 1.000000e+00 : f32
    %jit3A_90 = arith.constant 0.000000e+00 : f32
    %broadcast_in_dim3A_91 = vector.broadcast %jit3A_89 : f32 to vector<256x2048xf32>
    %broadcast_in_dim3A_92 = vector.broadcast %jit3A_90 : f32 to vector<256x2048xf32>
    %select_n3A_93 = arith.select %eq3A_88, %broadcast_in_dim3A_91, %broadcast_in_dim3A_92 : vector<256x2048xi1>, vector<256x2048xf32>
    %dot_general3A_94 = arith.constant dense<0.000000e+00> : vector<256x3xf32>
    %dot_general3A_95 = tpu.matmul %select_n3A_93, %get3A_66, %dot_general3A_94 {dimension_numbers = #tpu.dot_dimension_numbers<[1], [0], [0], [1], [0, 0, 1, 1], [], []>, transpose_lhs_hint = false} : vector<256x2048xf32>, vector<2048x3xf32>, vector<256x3xf32> -> vector<256x3xf32>
    %sub3A_96 = arith.subf %dot_general3A_95, %get3A_25 : vector<256x3xf32>
    %swap3A_97 = arith.constant 0 : index
    %swap3A_98 = arith.constant 1 : index
    %swap3A_99 = arith.constant 0 : index
    %swap3A_100 = arith.constant 0 : index
    %swap3A_101 = vector.load %arg9[%swap3A_97, %swap3A_98, %swap3A_99, %swap3A_100] : memref<1x16x256x3xf32, #tpu.memory_space<vmem>>, vector<1x1x256x3xf32>
    %swap3A_102 = vector.shape_cast %swap3A_101 : vector<1x1x256x3xf32> to vector<256x3xf32>
    %swap3A_103 = vector.shape_cast %sub3A_96 : vector<256x3xf32> to vector<1x1x256x3xf32>
    tpu.vector_store %arg9[%swap3A_97, %swap3A_98, %swap3A_99, %swap3A_100], %swap3A_103 {strides = array<i32>} : memref<1x16x256x3xf32, #tpu.memory_space<vmem>>, vector<1x1x256x3xf32>,
    %jit3A_104 = arith.constant 0x7F800000 : f32
    %broadcast_in_dim3A_105 = vector.broadcast %jit3A_104 : f32 to vector<256x2048xf32>
    %select_n3A_106 = arith.select %eq3A_88, %broadcast_in_dim3A_105, %select_n3A_84 : vector<256x2048xi1>, vector<256x2048xf32>
    %argmin3A_107 = tpu.reduce_index %select_n3A_106 {axis = 1 : i32, kind = #tpu.reduction_kind<arg_min>} : vector<256x2048xf32> -> vector<256xi32>
    %broadcast_in_dim3A_108 = vector.shape_cast %argmin3A_107 : vector<256xi32> to vector<256x1xi32>
    %eq3A_109 = vector.broadcast %broadcast_in_dim3A_108 : vector<256x1xi32> to vector<256x2048xi32>
    %eq3A_110 = arith.cmpi eq, %iota3A, %eq3A_109 : vector<256x2048xi32>
    %jit3A_111 = arith.constant 1.000000e+00 : f32
    %jit3A_112 = arith.constant 0.000000e+00 : f32
    %broadcast_in_dim3A_113 = vector.broadcast %jit3A_111 : f32 to vector<256x2048xf32>
    %broadcast_in_dim3A_114 = vector.broadcast %jit3A_112 : f32 to vector<256x2048xf32>
    %select_n3A_115 = arith.select %eq3A_110, %broadcast_in_dim3A_113, %broadcast_in_dim3A_114 : vector<256x2048xi1>, vector<256x2048xf32>
    %dot_general3A_116 = arith.constant dense<0.000000e+00> : vector<256x3xf32>
    %dot_general3A_117 = tpu.matmul %select_n3A_115, %get3A_66, %dot_general3A_116 {dimension_numbers = #tpu.dot_dimension_numbers<[1], [0], [0], [1], [0, 0, 1, 1], [], []>, transpose_lhs_hint = false} : vector<256x2048xf32>, vector<2048x3xf32>, vector<256x3xf32> -> vector<256x3xf32>
    %sub3A_118 = arith.subf %dot_general3A_117, %get3A_25 : vector<256x3xf32>
    %swap3A_119 = arith.constant 0 : index
    %swap3A_120 = arith.constant 2 : index
    %swap3A_121 = arith.constant 0 : index
    %swap3A_122 = arith.constant 0 : index
    %swap3A_123 = vector.load %arg9[%swap3A_119, %swap3A_120, %swap3A_121, %swap3A_122] : memref<1x16x256x3xf32, #tpu.memory_space<vmem>>, vector<1x1x256x3xf32>
    %swap3A_124 = vector.shape_cast %swap3A_123 : vector<1x1x256x3xf32> to vector<256x3xf32>
    %swap3A_125 = vector.shape_cast %sub3A_118 : vector<256x3xf32> to vector<1x1x256x3xf32>
    tpu.vector_store %arg9[%swap3A_119, %swap3A_120, %swap3A_121, %swap3A_122], %swap3A_125 {strides = array<i32>} : memref<1x16x256x3xf32, #tpu.memory_space<vmem>>, vector<1x1x256x3xf32>,
    %jit3A_126 = arith.constant 0x7F800000 : f32
    %broadcast_in_dim3A_127 = vector.broadcast %jit3A_126 : f32 to vector<256x2048xf32>
    %select_n3A_128 = arith.select %eq3A_110, %broadcast_in_dim3A_127, %select_n3A_106 : vector<256x2048xi1>, vector<256x2048xf32>
    %argmin3A_129 = tpu.reduce_index %select_n3A_128 {axis = 1 : i32, kind = #tpu.reduction_kind<arg_min>} : vector<256x2048xf32> -> vector<256xi32>
    %broadcast_in_dim3A_130 = vector.shape_cast %argmin3A_129 : vector<256xi32> to vector<256x1xi32>
    %eq3A_131 = vector.broadcast %broadcast_in_dim3A_130 : vector<256x1xi32> to vector<256x2048xi32>
    %eq3A_132 = arith.cmpi eq, %iota3A, %eq3A_131 : vector<256x2048xi32>
    %jit3A_133 = arith.constant 1.000000e+00 : f32
    %jit3A_134 = arith.constant 0.000000e+00 : f32
    %broadcast_in_dim3A_135 = vector.broadcast %jit3A_133 : f32 to vector<256x2048xf32>
    %broadcast_in_dim3A_136 = vector.broadcast %jit3A_134 : f32 to vector<256x2048xf32>
    %select_n3A_137 = arith.select %eq3A_132, %broadcast_in_dim3A_135, %broadcast_in_dim3A_136 : vector<256x2048xi1>, vector<256x2048xf32>
    %dot_general3A_138 = arith.constant dense<0.000000e+00> : vector<256x3xf32>
    %dot_general3A_139 = tpu.matmul %select_n3A_137, %get3A_66, %dot_general3A_138 {dimension_numbers = #tpu.dot_dimension_numbers<[1], [0], [0], [1], [0, 0, 1, 1], [], []>, transpose_lhs_hint = false} : vector<256x2048xf32>, vector<2048x3xf32>, vector<256x3xf32> -> vector<256x3xf32>
    %sub3A_140 = arith.subf %dot_general3A_139, %get3A_25 : vector<256x3xf32>
    %swap3A_141 = arith.constant 0 : index
    %swap3A_142 = arith.constant 3 : index
    %swap3A_143 = arith.constant 0 : index
    %swap3A_144 = arith.constant 0 : index
    %swap3A_145 = vector.load %arg9[%swap3A_141, %swap3A_142, %swap3A_143, %swap3A_144] : memref<1x16x256x3xf32, #tpu.memory_space<vmem>>, vector<1x1x256x3xf32>
    %swap3A_146 = vector.shape_cast %swap3A_145 : vector<1x1x256x3xf32> to vector<256x3xf32>
    %swap3A_147 = vector.shape_cast %sub3A_140 : vector<256x3xf32> to vector<1x1x256x3xf32>
    tpu.vector_store %arg9[%swap3A_141, %swap3A_142, %swap3A_143, %swap3A_144], %swap3A_147 {strides = array<i32>} : memref<1x16x256x3xf32, #tpu.memory_space<vmem>>, vector<1x1x256x3xf32>,
    %jit3A_148 = arith.constant 0x7F800000 : f32
    %broadcast_in_dim3A_149 = vector.broadcast %jit3A_148 : f32 to vector<256x2048xf32>
    %select_n3A_150 = arith.select %eq3A_132, %broadcast_in_dim3A_149, %select_n3A_128 : vector<256x2048xi1>, vector<256x2048xf32>
    %argmin3A_151 = tpu.reduce_index %select_n3A_150 {axis = 1 : i32, kind = #tpu.reduction_kind<arg_min>} : vector<256x2048xf32> -> vector<256xi32>
    %broadcast_in_dim3A_152 = vector.shape_cast %argmin3A_151 : vector<256xi32> to vector<256x1xi32>
    %eq3A_153 = vector.broadcast %broadcast_in_dim3A_152 : vector<256x1xi32> to vector<256x2048xi32>
    %eq3A_154 = arith.cmpi eq, %iota3A, %eq3A_153 : vector<256x2048xi32>
    %jit3A_155 = arith.constant 1.000000e+00 : f32
    %jit3A_156 = arith.constant 0.000000e+00 : f32
    %broadcast_in_dim3A_157 = vector.broadcast %jit3A_155 : f32 to vector<256x2048xf32>
    %broadcast_in_dim3A_158 = vector.broadcast %jit3A_156 : f32 to vector<256x2048xf32>
    %select_n3A_159 = arith.select %eq3A_154, %broadcast_in_dim3A_157, %broadcast_in_dim3A_158 : vector<256x2048xi1>, vector<256x2048xf32>
    %dot_general3A_160 = arith.constant dense<0.000000e+00> : vector<256x3xf32>
    %dot_general3A_161 = tpu.matmul %select_n3A_159, %get3A_66, %dot_general3A_160 {dimension_numbers = #tpu.dot_dimension_numbers<[1], [0], [0], [1], [0, 0, 1, 1], [], []>, transpose_lhs_hint = false} : vector<256x2048xf32>, vector<2048x3xf32>, vector<256x3xf32> -> vector<256x3xf32>
    %sub3A_162 = arith.subf %dot_general3A_161, %get3A_25 : vector<256x3xf32>
    %swap3A_163 = arith.constant 0 : index
    %swap3A_164 = arith.constant 4 : index
    %swap3A_165 = arith.constant 0 : index
    %swap3A_166 = arith.constant 0 : index
    %swap3A_167 = vector.load %arg9[%swap3A_163, %swap3A_164, %swap3A_165, %swap3A_166] : memref<1x16x256x3xf32, #tpu.memory_space<vmem>>, vector<1x1x256x3xf32>
    %swap3A_168 = vector.shape_cast %swap3A_167 : vector<1x1x256x3xf32> to vector<256x3xf32>
    %swap3A_169 = vector.shape_cast %sub3A_162 : vector<256x3xf32> to vector<1x1x256x3xf32>
    tpu.vector_store %arg9[%swap3A_163, %swap3A_164, %swap3A_165, %swap3A_166], %swap3A_169 {strides = array<i32>} : memref<1x16x256x3xf32, #tpu.memory_space<vmem>>, vector<1x1x256x3xf32>,
    %jit3A_170 = arith.constant 0x7F800000 : f32
    %broadcast_in_dim3A_171 = vector.broadcast %jit3A_170 : f32 to vector<256x2048xf32>
    %select_n3A_172 = arith.select %eq3A_154, %broadcast_in_dim3A_171, %select_n3A_150 : vector<256x2048xi1>, vector<256x2048xf32>
    %argmin3A_173 = tpu.reduce_index %select_n3A_172 {axis = 1 : i32, kind = #tpu.reduction_kind<arg_min>} : vector<256x2048xf32> -> vector<256xi32>
    %broadcast_in_dim3A_174 = vector.shape_cast %argmin3A_173 : vector<256xi32> to vector<256x1xi32>
    %eq3A_175 = vector.broadcast %broadcast_in_dim3A_174 : vector<256x1xi32> to vector<256x2048xi32>
    %eq3A_176 = arith.cmpi eq, %iota3A, %eq3A_175 : vector<256x2048xi32>
    %jit3A_177 = arith.constant 1.000000e+00 : f32
    %jit3A_178 = arith.constant 0.000000e+00 : f32
    %broadcast_in_dim3A_179 = vector.broadcast %jit3A_177 : f32 to vector<256x2048xf32>
    %broadcast_in_dim3A_180 = vector.broadcast %jit3A_178 : f32 to vector<256x2048xf32>
    %select_n3A_181 = arith.select %eq3A_176, %broadcast_in_dim3A_179, %broadcast_in_dim3A_180 : vector<256x2048xi1>, vector<256x2048xf32>
    %dot_general3A_182 = arith.constant dense<0.000000e+00> : vector<256x3xf32>
    %dot_general3A_183 = tpu.matmul %select_n3A_181, %get3A_66, %dot_general3A_182 {dimension_numbers = #tpu.dot_dimension_numbers<[1], [0], [0], [1], [0, 0, 1, 1], [], []>, transpose_lhs_hint = false} : vector<256x2048xf32>, vector<2048x3xf32>, vector<256x3xf32> -> vector<256x3xf32>
    %sub3A_184 = arith.subf %dot_general3A_183, %get3A_25 : vector<256x3xf32>
    %swap3A_185 = arith.constant 0 : index
    %swap3A_186 = arith.constant 5 : index
    %swap3A_187 = arith.constant 0 : index
    %swap3A_188 = arith.constant 0 : index
    %swap3A_189 = vector.load %arg9[%swap3A_185, %swap3A_186, %swap3A_187, %swap3A_188] : memref<1x16x256x3xf32, #tpu.memory_space<vmem>>, vector<1x1x256x3xf32>
    %swap3A_190 = vector.shape_cast %swap3A_189 : vector<1x1x256x3xf32> to vector<256x3xf32>
    %swap3A_191 = vector.shape_cast %sub3A_184 : vector<256x3xf32> to vector<1x1x256x3xf32>
    tpu.vector_store %arg9[%swap3A_185, %swap3A_186, %swap3A_187, %swap3A_188], %swap3A_191 {strides = array<i32>} : memref<1x16x256x3xf32, #tpu.memory_space<vmem>>, vector<1x1x256x3xf32>,
    %jit3A_192 = arith.constant 0x7F800000 : f32
    %broadcast_in_dim3A_193 = vector.broadcast %jit3A_192 : f32 to vector<256x2048xf32>
    %select_n3A_194 = arith.select %eq3A_176, %broadcast_in_dim3A_193, %select_n3A_172 : vector<256x2048xi1>, vector<256x2048xf32>
    %argmin3A_195 = tpu.reduce_index %select_n3A_194 {axis = 1 : i32, kind = #tpu.reduction_kind<arg_min>} : vector<256x2048xf32> -> vector<256xi32>
    %broadcast_in_dim3A_196 = vector.shape_cast %argmin3A_195 : vector<256xi32> to vector<256x1xi32>
    %eq3A_197 = vector.broadcast %broadcast_in_dim3A_196 : vector<256x1xi32> to vector<256x2048xi32>
    %eq3A_198 = arith.cmpi eq, %iota3A, %eq3A_197 : vector<256x2048xi32>
    %jit3A_199 = arith.constant 1.000000e+00 : f32
    %jit3A_200 = arith.constant 0.000000e+00 : f32
    %broadcast_in_dim3A_201 = vector.broadcast %jit3A_199 : f32 to vector<256x2048xf32>
    %broadcast_in_dim3A_202 = vector.broadcast %jit3A_200 : f32 to vector<256x2048xf32>
    %select_n3A_203 = arith.select %eq3A_198, %broadcast_in_dim3A_201, %broadcast_in_dim3A_202 : vector<256x2048xi1>, vector<256x2048xf32>
    %dot_general3A_204 = arith.constant dense<0.000000e+00> : vector<256x3xf32>
    %dot_general3A_205 = tpu.matmul %select_n3A_203, %get3A_66, %dot_general3A_204 {dimension_numbers = #tpu.dot_dimension_numbers<[1], [0], [0], [1], [0, 0, 1, 1], [], []>, transpose_lhs_hint = false} : vector<256x2048xf32>, vector<2048x3xf32>, vector<256x3xf32> -> vector<256x3xf32>
    %sub3A_206 = arith.subf %dot_general3A_205, %get3A_25 : vector<256x3xf32>
    %swap3A_207 = arith.constant 0 : index
    %swap3A_208 = arith.constant 6 : index
    %swap3A_209 = arith.constant 0 : index
    %swap3A_210 = arith.constant 0 : index
    %swap3A_211 = vector.load %arg9[%swap3A_207, %swap3A_208, %swap3A_209, %swap3A_210] : memref<1x16x256x3xf32, #tpu.memory_space<vmem>>, vector<1x1x256x3xf32>
    %swap3A_212 = vector.shape_cast %swap3A_211 : vector<1x1x256x3xf32> to vector<256x3xf32>
    %swap3A_213 = vector.shape_cast %sub3A_206 : vector<256x3xf32> to vector<1x1x256x3xf32>
    tpu.vector_store %arg9[%swap3A_207, %swap3A_208, %swap3A_209, %swap3A_210], %swap3A_213 {strides = array<i32>} : memref<1x16x256x3xf32, #tpu.memory_space<vmem>>, vector<1x1x256x3xf32>,
    %jit3A_214 = arith.constant 0x7F800000 : f32
    %broadcast_in_dim3A_215 = vector.broadcast %jit3A_214 : f32 to vector<256x2048xf32>
    %select_n3A_216 = arith.select %eq3A_198, %broadcast_in_dim3A_215, %select_n3A_194 : vector<256x2048xi1>, vector<256x2048xf32>
    %argmin3A_217 = tpu.reduce_index %select_n3A_216 {axis = 1 : i32, kind = #tpu.reduction_kind<arg_min>} : vector<256x2048xf32> -> vector<256xi32>
    %broadcast_in_dim3A_218 = vector.shape_cast %argmin3A_217 : vector<256xi32> to vector<256x1xi32>
    %eq3A_219 = vector.broadcast %broadcast_in_dim3A_218 : vector<256x1xi32> to vector<256x2048xi32>
    %eq3A_220 = arith.cmpi eq, %iota3A, %eq3A_219 : vector<256x2048xi32>
    %jit3A_221 = arith.constant 1.000000e+00 : f32
    %jit3A_222 = arith.constant 0.000000e+00 : f32
    %broadcast_in_dim3A_223 = vector.broadcast %jit3A_221 : f32 to vector<256x2048xf32>
    %broadcast_in_dim3A_224 = vector.broadcast %jit3A_222 : f32 to vector<256x2048xf32>
    %select_n3A_225 = arith.select %eq3A_220, %broadcast_in_dim3A_223, %broadcast_in_dim3A_224 : vector<256x2048xi1>, vector<256x2048xf32>
    %dot_general3A_226 = arith.constant dense<0.000000e+00> : vector<256x3xf32>
    %dot_general3A_227 = tpu.matmul %select_n3A_225, %get3A_66, %dot_general3A_226 {dimension_numbers = #tpu.dot_dimension_numbers<[1], [0], [0], [1], [0, 0, 1, 1], [], []>, transpose_lhs_hint = false} : vector<256x2048xf32>, vector<2048x3xf32>, vector<256x3xf32> -> vector<256x3xf32>
    %sub3A_228 = arith.subf %dot_general3A_227, %get3A_25 : vector<256x3xf32>
    %swap3A_229 = arith.constant 0 : index
    %swap3A_230 = arith.constant 7 : index
    %swap3A_231 = arith.constant 0 : index
    %swap3A_232 = arith.constant 0 : index
    %swap3A_233 = vector.load %arg9[%swap3A_229, %swap3A_230, %swap3A_231, %swap3A_232] : memref<1x16x256x3xf32, #tpu.memory_space<vmem>>, vector<1x1x256x3xf32>
    %swap3A_234 = vector.shape_cast %swap3A_233 : vector<1x1x256x3xf32> to vector<256x3xf32>
    %swap3A_235 = vector.shape_cast %sub3A_228 : vector<256x3xf32> to vector<1x1x256x3xf32>
    tpu.vector_store %arg9[%swap3A_229, %swap3A_230, %swap3A_231, %swap3A_232], %swap3A_235 {strides = array<i32>} : memref<1x16x256x3xf32, #tpu.memory_space<vmem>>, vector<1x1x256x3xf32>,
    %jit3A_236 = arith.constant 0x7F800000 : f32
    %broadcast_in_dim3A_237 = vector.broadcast %jit3A_236 : f32 to vector<256x2048xf32>
    %select_n3A_238 = arith.select %eq3A_220, %broadcast_in_dim3A_237, %select_n3A_216 : vector<256x2048xi1>, vector<256x2048xf32>
    %argmin3A_239 = tpu.reduce_index %select_n3A_238 {axis = 1 : i32, kind = #tpu.reduction_kind<arg_min>} : vector<256x2048xf32> -> vector<256xi32>
    %broadcast_in_dim3A_240 = vector.shape_cast %argmin3A_239 : vector<256xi32> to vector<256x1xi32>
    %eq3A_241 = vector.broadcast %broadcast_in_dim3A_240 : vector<256x1xi32> to vector<256x2048xi32>
    %eq3A_242 = arith.cmpi eq, %iota3A, %eq3A_241 : vector<256x2048xi32>
    %jit3A_243 = arith.constant 1.000000e+00 : f32
    %jit3A_244 = arith.constant 0.000000e+00 : f32
    %broadcast_in_dim3A_245 = vector.broadcast %jit3A_243 : f32 to vector<256x2048xf32>
    %broadcast_in_dim3A_246 = vector.broadcast %jit3A_244 : f32 to vector<256x2048xf32>
    %select_n3A_247 = arith.select %eq3A_242, %broadcast_in_dim3A_245, %broadcast_in_dim3A_246 : vector<256x2048xi1>, vector<256x2048xf32>
    %dot_general3A_248 = arith.constant dense<0.000000e+00> : vector<256x3xf32>
    %dot_general3A_249 = tpu.matmul %select_n3A_247, %get3A_66, %dot_general3A_248 {dimension_numbers = #tpu.dot_dimension_numbers<[1], [0], [0], [1], [0, 0, 1, 1], [], []>, transpose_lhs_hint = false} : vector<256x2048xf32>, vector<2048x3xf32>, vector<256x3xf32> -> vector<256x3xf32>
    %sub3A_250 = arith.subf %dot_general3A_249, %get3A_25 : vector<256x3xf32>
    %swap3A_251 = arith.constant 0 : index
    %swap3A_252 = arith.constant 8 : index
    %swap3A_253 = arith.constant 0 : index
    %swap3A_254 = arith.constant 0 : index
    %swap3A_255 = vector.load %arg9[%swap3A_251, %swap3A_252, %swap3A_253, %swap3A_254] : memref<1x16x256x3xf32, #tpu.memory_space<vmem>>, vector<1x1x256x3xf32>
    %swap3A_256 = vector.shape_cast %swap3A_255 : vector<1x1x256x3xf32> to vector<256x3xf32>
    %swap3A_257 = vector.shape_cast %sub3A_250 : vector<256x3xf32> to vector<1x1x256x3xf32>
    tpu.vector_store %arg9[%swap3A_251, %swap3A_252, %swap3A_253, %swap3A_254], %swap3A_257 {strides = array<i32>} : memref<1x16x256x3xf32, #tpu.memory_space<vmem>>, vector<1x1x256x3xf32>,
    %jit3A_258 = arith.constant 0x7F800000 : f32
    %broadcast_in_dim3A_259 = vector.broadcast %jit3A_258 : f32 to vector<256x2048xf32>
    %select_n3A_260 = arith.select %eq3A_242, %broadcast_in_dim3A_259, %select_n3A_238 : vector<256x2048xi1>, vector<256x2048xf32>
    %argmin3A_261 = tpu.reduce_index %select_n3A_260 {axis = 1 : i32, kind = #tpu.reduction_kind<arg_min>} : vector<256x2048xf32> -> vector<256xi32>
    %broadcast_in_dim3A_262 = vector.shape_cast %argmin3A_261 : vector<256xi32> to vector<256x1xi32>
    %eq3A_263 = vector.broadcast %broadcast_in_dim3A_262 : vector<256x1xi32> to vector<256x2048xi32>
    %eq3A_264 = arith.cmpi eq, %iota3A, %eq3A_263 : vector<256x2048xi32>
    %jit3A_265 = arith.constant 1.000000e+00 : f32
    %jit3A_266 = arith.constant 0.000000e+00 : f32
    %broadcast_in_dim3A_267 = vector.broadcast %jit3A_265 : f32 to vector<256x2048xf32>
    %broadcast_in_dim3A_268 = vector.broadcast %jit3A_266 : f32 to vector<256x2048xf32>
    %select_n3A_269 = arith.select %eq3A_264, %broadcast_in_dim3A_267, %broadcast_in_dim3A_268 : vector<256x2048xi1>, vector<256x2048xf32>
    %dot_general3A_270 = arith.constant dense<0.000000e+00> : vector<256x3xf32>
    %dot_general3A_271 = tpu.matmul %select_n3A_269, %get3A_66, %dot_general3A_270 {dimension_numbers = #tpu.dot_dimension_numbers<[1], [0], [0], [1], [0, 0, 1, 1], [], []>, transpose_lhs_hint = false} : vector<256x2048xf32>, vector<2048x3xf32>, vector<256x3xf32> -> vector<256x3xf32>
    %sub3A_272 = arith.subf %dot_general3A_271, %get3A_25 : vector<256x3xf32>
    %swap3A_273 = arith.constant 0 : index
    %swap3A_274 = arith.constant 9 : index
    %swap3A_275 = arith.constant 0 : index
    %swap3A_276 = arith.constant 0 : index
    %swap3A_277 = vector.load %arg9[%swap3A_273, %swap3A_274, %swap3A_275, %swap3A_276] : memref<1x16x256x3xf32, #tpu.memory_space<vmem>>, vector<1x1x256x3xf32>
    %swap3A_278 = vector.shape_cast %swap3A_277 : vector<1x1x256x3xf32> to vector<256x3xf32>
    %swap3A_279 = vector.shape_cast %sub3A_272 : vector<256x3xf32> to vector<1x1x256x3xf32>
    tpu.vector_store %arg9[%swap3A_273, %swap3A_274, %swap3A_275, %swap3A_276], %swap3A_279 {strides = array<i32>} : memref<1x16x256x3xf32, #tpu.memory_space<vmem>>, vector<1x1x256x3xf32>,
    %jit3A_280 = arith.constant 0x7F800000 : f32
    %broadcast_in_dim3A_281 = vector.broadcast %jit3A_280 : f32 to vector<256x2048xf32>
    %select_n3A_282 = arith.select %eq3A_264, %broadcast_in_dim3A_281, %select_n3A_260 : vector<256x2048xi1>, vector<256x2048xf32>
    %argmin3A_283 = tpu.reduce_index %select_n3A_282 {axis = 1 : i32, kind = #tpu.reduction_kind<arg_min>} : vector<256x2048xf32> -> vector<256xi32>
    %broadcast_in_dim3A_284 = vector.shape_cast %argmin3A_283 : vector<256xi32> to vector<256x1xi32>
    %eq3A_285 = vector.broadcast %broadcast_in_dim3A_284 : vector<256x1xi32> to vector<256x2048xi32>
    %eq3A_286 = arith.cmpi eq, %iota3A, %eq3A_285 : vector<256x2048xi32>
    %jit3A_287 = arith.constant 1.000000e+00 : f32
    %jit3A_288 = arith.constant 0.000000e+00 : f32
    %broadcast_in_dim3A_289 = vector.broadcast %jit3A_287 : f32 to vector<256x2048xf32>
    %broadcast_in_dim3A_290 = vector.broadcast %jit3A_288 : f32 to vector<256x2048xf32>
    %select_n3A_291 = arith.select %eq3A_286, %broadcast_in_dim3A_289, %broadcast_in_dim3A_290 : vector<256x2048xi1>, vector<256x2048xf32>
    %dot_general3A_292 = arith.constant dense<0.000000e+00> : vector<256x3xf32>
    %dot_general3A_293 = tpu.matmul %select_n3A_291, %get3A_66, %dot_general3A_292 {dimension_numbers = #tpu.dot_dimension_numbers<[1], [0], [0], [1], [0, 0, 1, 1], [], []>, transpose_lhs_hint = false} : vector<256x2048xf32>, vector<2048x3xf32>, vector<256x3xf32> -> vector<256x3xf32>
    %sub3A_294 = arith.subf %dot_general3A_293, %get3A_25 : vector<256x3xf32>
    %swap3A_295 = arith.constant 0 : index
    %swap3A_296 = arith.constant 10 : index
    %swap3A_297 = arith.constant 0 : index
    %swap3A_298 = arith.constant 0 : index
    %swap3A_299 = vector.load %arg9[%swap3A_295, %swap3A_296, %swap3A_297, %swap3A_298] : memref<1x16x256x3xf32, #tpu.memory_space<vmem>>, vector<1x1x256x3xf32>
    %swap3A_300 = vector.shape_cast %swap3A_299 : vector<1x1x256x3xf32> to vector<256x3xf32>
    %swap3A_301 = vector.shape_cast %sub3A_294 : vector<256x3xf32> to vector<1x1x256x3xf32>
    tpu.vector_store %arg9[%swap3A_295, %swap3A_296, %swap3A_297, %swap3A_298], %swap3A_301 {strides = array<i32>} : memref<1x16x256x3xf32, #tpu.memory_space<vmem>>, vector<1x1x256x3xf32>,
    %jit3A_302 = arith.constant 0x7F800000 : f32
    %broadcast_in_dim3A_303 = vector.broadcast %jit3A_302 : f32 to vector<256x2048xf32>
    %select_n3A_304 = arith.select %eq3A_286, %broadcast_in_dim3A_303, %select_n3A_282 : vector<256x2048xi1>, vector<256x2048xf32>
    %argmin3A_305 = tpu.reduce_index %select_n3A_304 {axis = 1 : i32, kind = #tpu.reduction_kind<arg_min>} : vector<256x2048xf32> -> vector<256xi32>
    %broadcast_in_dim3A_306 = vector.shape_cast %argmin3A_305 : vector<256xi32> to vector<256x1xi32>
    %eq3A_307 = vector.broadcast %broadcast_in_dim3A_306 : vector<256x1xi32> to vector<256x2048xi32>
    %eq3A_308 = arith.cmpi eq, %iota3A, %eq3A_307 : vector<256x2048xi32>
    %jit3A_309 = arith.constant 1.000000e+00 : f32
    %jit3A_310 = arith.constant 0.000000e+00 : f32
    %broadcast_in_dim3A_311 = vector.broadcast %jit3A_309 : f32 to vector<256x2048xf32>
    %broadcast_in_dim3A_312 = vector.broadcast %jit3A_310 : f32 to vector<256x2048xf32>
    %select_n3A_313 = arith.select %eq3A_308, %broadcast_in_dim3A_311, %broadcast_in_dim3A_312 : vector<256x2048xi1>, vector<256x2048xf32>
    %dot_general3A_314 = arith.constant dense<0.000000e+00> : vector<256x3xf32>
    %dot_general3A_315 = tpu.matmul %select_n3A_313, %get3A_66, %dot_general3A_314 {dimension_numbers = #tpu.dot_dimension_numbers<[1], [0], [0], [1], [0, 0, 1, 1], [], []>, transpose_lhs_hint = false} : vector<256x2048xf32>, vector<2048x3xf32>, vector<256x3xf32> -> vector<256x3xf32>
    %sub3A_316 = arith.subf %dot_general3A_315, %get3A_25 : vector<256x3xf32>
    %swap3A_317 = arith.constant 0 : index
    %swap3A_318 = arith.constant 11 : index
    %swap3A_319 = arith.constant 0 : index
    %swap3A_320 = arith.constant 0 : index
    %swap3A_321 = vector.load %arg9[%swap3A_317, %swap3A_318, %swap3A_319, %swap3A_320] : memref<1x16x256x3xf32, #tpu.memory_space<vmem>>, vector<1x1x256x3xf32>
    %swap3A_322 = vector.shape_cast %swap3A_321 : vector<1x1x256x3xf32> to vector<256x3xf32>
    %swap3A_323 = vector.shape_cast %sub3A_316 : vector<256x3xf32> to vector<1x1x256x3xf32>
    tpu.vector_store %arg9[%swap3A_317, %swap3A_318, %swap3A_319, %swap3A_320], %swap3A_323 {strides = array<i32>} : memref<1x16x256x3xf32, #tpu.memory_space<vmem>>, vector<1x1x256x3xf32>,
    %jit3A_324 = arith.constant 0x7F800000 : f32
    %broadcast_in_dim3A_325 = vector.broadcast %jit3A_324 : f32 to vector<256x2048xf32>
    %select_n3A_326 = arith.select %eq3A_308, %broadcast_in_dim3A_325, %select_n3A_304 : vector<256x2048xi1>, vector<256x2048xf32>
    %argmin3A_327 = tpu.reduce_index %select_n3A_326 {axis = 1 : i32, kind = #tpu.reduction_kind<arg_min>} : vector<256x2048xf32> -> vector<256xi32>
    %broadcast_in_dim3A_328 = vector.shape_cast %argmin3A_327 : vector<256xi32> to vector<256x1xi32>
    %eq3A_329 = vector.broadcast %broadcast_in_dim3A_328 : vector<256x1xi32> to vector<256x2048xi32>
    %eq3A_330 = arith.cmpi eq, %iota3A, %eq3A_329 : vector<256x2048xi32>
    %jit3A_331 = arith.constant 1.000000e+00 : f32
    %jit3A_332 = arith.constant 0.000000e+00 : f32
    %broadcast_in_dim3A_333 = vector.broadcast %jit3A_331 : f32 to vector<256x2048xf32>
    %broadcast_in_dim3A_334 = vector.broadcast %jit3A_332 : f32 to vector<256x2048xf32>
    %select_n3A_335 = arith.select %eq3A_330, %broadcast_in_dim3A_333, %broadcast_in_dim3A_334 : vector<256x2048xi1>, vector<256x2048xf32>
    %dot_general3A_336 = arith.constant dense<0.000000e+00> : vector<256x3xf32>
    %dot_general3A_337 = tpu.matmul %select_n3A_335, %get3A_66, %dot_general3A_336 {dimension_numbers = #tpu.dot_dimension_numbers<[1], [0], [0], [1], [0, 0, 1, 1], [], []>, transpose_lhs_hint = false} : vector<256x2048xf32>, vector<2048x3xf32>, vector<256x3xf32> -> vector<256x3xf32>
    %sub3A_338 = arith.subf %dot_general3A_337, %get3A_25 : vector<256x3xf32>
    %swap3A_339 = arith.constant 0 : index
    %swap3A_340 = arith.constant 12 : index
    %swap3A_341 = arith.constant 0 : index
    %swap3A_342 = arith.constant 0 : index
    %swap3A_343 = vector.load %arg9[%swap3A_339, %swap3A_340, %swap3A_341, %swap3A_342] : memref<1x16x256x3xf32, #tpu.memory_space<vmem>>, vector<1x1x256x3xf32>
    %swap3A_344 = vector.shape_cast %swap3A_343 : vector<1x1x256x3xf32> to vector<256x3xf32>
    %swap3A_345 = vector.shape_cast %sub3A_338 : vector<256x3xf32> to vector<1x1x256x3xf32>
    tpu.vector_store %arg9[%swap3A_339, %swap3A_340, %swap3A_341, %swap3A_342], %swap3A_345 {strides = array<i32>} : memref<1x16x256x3xf32, #tpu.memory_space<vmem>>, vector<1x1x256x3xf32>,
    %jit3A_346 = arith.constant 0x7F800000 : f32
    %broadcast_in_dim3A_347 = vector.broadcast %jit3A_346 : f32 to vector<256x2048xf32>
    %select_n3A_348 = arith.select %eq3A_330, %broadcast_in_dim3A_347, %select_n3A_326 : vector<256x2048xi1>, vector<256x2048xf32>
    %argmin3A_349 = tpu.reduce_index %select_n3A_348 {axis = 1 : i32, kind = #tpu.reduction_kind<arg_min>} : vector<256x2048xf32> -> vector<256xi32>
    %broadcast_in_dim3A_350 = vector.shape_cast %argmin3A_349 : vector<256xi32> to vector<256x1xi32>
    %eq3A_351 = vector.broadcast %broadcast_in_dim3A_350 : vector<256x1xi32> to vector<256x2048xi32>
    %eq3A_352 = arith.cmpi eq, %iota3A, %eq3A_351 : vector<256x2048xi32>
    %jit3A_353 = arith.constant 1.000000e+00 : f32
    %jit3A_354 = arith.constant 0.000000e+00 : f32
    %broadcast_in_dim3A_355 = vector.broadcast %jit3A_353 : f32 to vector<256x2048xf32>
    %broadcast_in_dim3A_356 = vector.broadcast %jit3A_354 : f32 to vector<256x2048xf32>
    %select_n3A_357 = arith.select %eq3A_352, %broadcast_in_dim3A_355, %broadcast_in_dim3A_356 : vector<256x2048xi1>, vector<256x2048xf32>
    %dot_general3A_358 = arith.constant dense<0.000000e+00> : vector<256x3xf32>
    %dot_general3A_359 = tpu.matmul %select_n3A_357, %get3A_66, %dot_general3A_358 {dimension_numbers = #tpu.dot_dimension_numbers<[1], [0], [0], [1], [0, 0, 1, 1], [], []>, transpose_lhs_hint = false} : vector<256x2048xf32>, vector<2048x3xf32>, vector<256x3xf32> -> vector<256x3xf32>
    %sub3A_360 = arith.subf %dot_general3A_359, %get3A_25 : vector<256x3xf32>
    %swap3A_361 = arith.constant 0 : index
    %swap3A_362 = arith.constant 13 : index
    %swap3A_363 = arith.constant 0 : index
    %swap3A_364 = arith.constant 0 : index
    %swap3A_365 = vector.load %arg9[%swap3A_361, %swap3A_362, %swap3A_363, %swap3A_364] : memref<1x16x256x3xf32, #tpu.memory_space<vmem>>, vector<1x1x256x3xf32>
    %swap3A_366 = vector.shape_cast %swap3A_365 : vector<1x1x256x3xf32> to vector<256x3xf32>
    %swap3A_367 = vector.shape_cast %sub3A_360 : vector<256x3xf32> to vector<1x1x256x3xf32>
    tpu.vector_store %arg9[%swap3A_361, %swap3A_362, %swap3A_363, %swap3A_364], %swap3A_367 {strides = array<i32>} : memref<1x16x256x3xf32, #tpu.memory_space<vmem>>, vector<1x1x256x3xf32>,
    %jit3A_368 = arith.constant 0x7F800000 : f32
    %broadcast_in_dim3A_369 = vector.broadcast %jit3A_368 : f32 to vector<256x2048xf32>
    %select_n3A_370 = arith.select %eq3A_352, %broadcast_in_dim3A_369, %select_n3A_348 : vector<256x2048xi1>, vector<256x2048xf32>
    %argmin3A_371 = tpu.reduce_index %select_n3A_370 {axis = 1 : i32, kind = #tpu.reduction_kind<arg_min>} : vector<256x2048xf32> -> vector<256xi32>
    %broadcast_in_dim3A_372 = vector.shape_cast %argmin3A_371 : vector<256xi32> to vector<256x1xi32>
    %eq3A_373 = vector.broadcast %broadcast_in_dim3A_372 : vector<256x1xi32> to vector<256x2048xi32>
    %eq3A_374 = arith.cmpi eq, %iota3A, %eq3A_373 : vector<256x2048xi32>
    %jit3A_375 = arith.constant 1.000000e+00 : f32
    %jit3A_376 = arith.constant 0.000000e+00 : f32
    %broadcast_in_dim3A_377 = vector.broadcast %jit3A_375 : f32 to vector<256x2048xf32>
    %broadcast_in_dim3A_378 = vector.broadcast %jit3A_376 : f32 to vector<256x2048xf32>
    %select_n3A_379 = arith.select %eq3A_374, %broadcast_in_dim3A_377, %broadcast_in_dim3A_378 : vector<256x2048xi1>, vector<256x2048xf32>
    %dot_general3A_380 = arith.constant dense<0.000000e+00> : vector<256x3xf32>
    %dot_general3A_381 = tpu.matmul %select_n3A_379, %get3A_66, %dot_general3A_380 {dimension_numbers = #tpu.dot_dimension_numbers<[1], [0], [0], [1], [0, 0, 1, 1], [], []>, transpose_lhs_hint = false} : vector<256x2048xf32>, vector<2048x3xf32>, vector<256x3xf32> -> vector<256x3xf32>
    %sub3A_382 = arith.subf %dot_general3A_381, %get3A_25 : vector<256x3xf32>
    %swap3A_383 = arith.constant 0 : index
    %swap3A_384 = arith.constant 14 : index
    %swap3A_385 = arith.constant 0 : index
    %swap3A_386 = arith.constant 0 : index
    %swap3A_387 = vector.load %arg9[%swap3A_383, %swap3A_384, %swap3A_385, %swap3A_386] : memref<1x16x256x3xf32, #tpu.memory_space<vmem>>, vector<1x1x256x3xf32>
    %swap3A_388 = vector.shape_cast %swap3A_387 : vector<1x1x256x3xf32> to vector<256x3xf32>
    %swap3A_389 = vector.shape_cast %sub3A_382 : vector<256x3xf32> to vector<1x1x256x3xf32>
    tpu.vector_store %arg9[%swap3A_383, %swap3A_384, %swap3A_385, %swap3A_386], %swap3A_389 {strides = array<i32>} : memref<1x16x256x3xf32, #tpu.memory_space<vmem>>, vector<1x1x256x3xf32>,
    %jit3A_390 = arith.constant 0x7F800000 : f32
    %broadcast_in_dim3A_391 = vector.broadcast %jit3A_390 : f32 to vector<256x2048xf32>
    %select_n3A_392 = arith.select %eq3A_374, %broadcast_in_dim3A_391, %select_n3A_370 : vector<256x2048xi1>, vector<256x2048xf32>
    %argmin3A_393 = tpu.reduce_index %select_n3A_392 {axis = 1 : i32, kind = #tpu.reduction_kind<arg_min>} : vector<256x2048xf32> -> vector<256xi32>
    %broadcast_in_dim3A_394 = vector.shape_cast %argmin3A_393 : vector<256xi32> to vector<256x1xi32>
    %eq3A_395 = vector.broadcast %broadcast_in_dim3A_394 : vector<256x1xi32> to vector<256x2048xi32>
    %eq3A_396 = arith.cmpi eq, %iota3A, %eq3A_395 : vector<256x2048xi32>
    %jit3A_397 = arith.constant 1.000000e+00 : f32
    %jit3A_398 = arith.constant 0.000000e+00 : f32
    %broadcast_in_dim3A_399 = vector.broadcast %jit3A_397 : f32 to vector<256x2048xf32>
    %broadcast_in_dim3A_400 = vector.broadcast %jit3A_398 : f32 to vector<256x2048xf32>
    %select_n3A_401 = arith.select %eq3A_396, %broadcast_in_dim3A_399, %broadcast_in_dim3A_400 : vector<256x2048xi1>, vector<256x2048xf32>
    %dot_general3A_402 = arith.constant dense<0.000000e+00> : vector<256x3xf32>
    %dot_general3A_403 = tpu.matmul %select_n3A_401, %get3A_66, %dot_general3A_402 {dimension_numbers = #tpu.dot_dimension_numbers<[1], [0], [0], [1], [0, 0, 1, 1], [], []>, transpose_lhs_hint = false} : vector<256x2048xf32>, vector<2048x3xf32>, vector<256x3xf32> -> vector<256x3xf32>
    %sub3A_404 = arith.subf %dot_general3A_403, %get3A_25 : vector<256x3xf32>
    %swap3A_405 = arith.constant 0 : index
    %swap3A_406 = arith.constant 15 : index
    %swap3A_407 = arith.constant 0 : index
    %swap3A_408 = arith.constant 0 : index
    %swap3A_409 = vector.load %arg9[%swap3A_405, %swap3A_406, %swap3A_407, %swap3A_408] : memref<1x16x256x3xf32, #tpu.memory_space<vmem>>, vector<1x1x256x3xf32>
    %swap3A_410 = vector.shape_cast %swap3A_409 : vector<1x1x256x3xf32> to vector<256x3xf32>
    %swap3A_411 = vector.shape_cast %sub3A_404 : vector<256x3xf32> to vector<1x1x256x3xf32>
    tpu.vector_store %arg9[%swap3A_405, %swap3A_406, %swap3A_407, %swap3A_408], %swap3A_411 {strides = array<i32>} : memref<1x16x256x3xf32, #tpu.memory_space<vmem>>, vector<1x1x256x3xf32>,
    %concatenate3A = tpu.concatenate %broadcast_in_dim3A_67, %broadcast_in_dim3A_86, %broadcast_in_dim3A_108, %broadcast_in_dim3A_130, %broadcast_in_dim3A_152, %broadcast_in_dim3A_174, %broadcast_in_dim3A_196, %broadcast_in_dim3A_218, %broadcast_in_dim3A_240, %broadcast_in_dim3A_262, %broadcast_in_dim3A_284, %broadcast_in_dim3A_306, %broadcast_in_dim3A_328, %broadcast_in_dim3A_350, %broadcast_in_dim3A_372, %broadcast_in_dim3A_394 in 1 : vector<256x1xi32>, vector<256x1xi32>, vector<256x1xi32>, vector<256x1xi32>, vector<256x1xi32>, vector<256x1xi32>, vector<256x1xi32>, vector<256x1xi32>, vector<256x1xi32>, vector<256x1xi32>, vector<256x1xi32>, vector<256x1xi32>, vector<256x1xi32>, vector<256x1xi32>, vector<256x1xi32>, vector<256x1xi32> -> vector<256x16xi32>
    %mul3A_412 = arith.constant 2048 : i32
    %mul3A_413 = arith.muli %arg0, %mul3A_412 : i32
    %add3A_414 = vector.broadcast %mul3A_413 : i32 to vector<256x16xi32>
    %add3A_415 = arith.addi %concatenate3A, %add3A_414 : vector<256x16xi32>
    %swap3A_416 = arith.constant 0 : index
    %swap3A_417 = arith.constant 0 : index
    %swap3A_418 = arith.constant 0 : index
    %swap3A_419 = vector.load %arg8[%swap3A_416, %swap3A_417, %swap3A_418] : memref<1x256x16xi32, #tpu.memory_space<vmem>>, vector<1x256x16xi32>
    %swap3A_420 = vector.shape_cast %swap3A_419 : vector<1x256x16xi32> to vector<256x16xi32>
    %swap3A_421 = vector.shape_cast %add3A_415 : vector<256x16xi32> to vector<1x256x16xi32>
    tpu.vector_store %arg8[%swap3A_416, %swap3A_417, %swap3A_418], %swap3A_421 {strides = array<i32>} : memref<1x256x16xi32, #tpu.memory_space<vmem>>, vector<1x256x16xi32>,
    return
  }
  func.func @transform_0(%arg0: i32, %arg1: i32) -> (i32, i32, i32) {
    %c0_i32 = arith.constant 0 : i32
    %c0_i32_0 = arith.constant 0 : i32
    return %arg0, %arg1, %c0_i32 : i32, i32, i32
  }
  func.func @transform_1(%arg0: i32, %arg1: i32) -> (i32, i32, i32) {
    %c0_i32 = arith.constant 0 : i32
    %c0_i32_0 = arith.constant 0 : i32
    return %arg0, %arg1, %c0_i32 : i32, i32, i32
  }
  func.func @transform_2(%arg0: i32, %arg1: i32) -> (i32, i32, i32) {
    %c0_i32 = arith.constant 0 : i32
    %c0_i32_0 = arith.constant 0 : i32
    %c0_i32_1 = arith.constant 0 : i32
    return %arg0, %c0_i32, %c0_i32_0 : i32, i32, i32
  }
  func.func @transform_3(%arg0: i32, %arg1: i32) -> (i32, i32, i32) {
    %c0_i32 = arith.constant 0 : i32
    %c0_i32_0 = arith.constant 0 : i32
    %c0_i32_1 = arith.constant 0 : i32
    return %arg0, %c0_i32, %c0_i32_0 : i32, i32, i32
  }
  func.func @transform_4(%arg0: i32, %arg1: i32) -> (i32, i32) {
    %c0_i32 = arith.constant 0 : i32
    %c0_i32_0 = arith.constant 0 : i32
    %c0_i32_1 = arith.constant 0 : i32
    return %c0_i32, %c0_i32_0 : i32, i32
  }
  func.func @transform_5(%arg0: i32, %arg1: i32) -> (i32, i32, i32) {
    %c0_i32 = arith.constant 0 : i32
    %c0_i32_0 = arith.constant 0 : i32
    return %arg0, %arg1, %c0_i32 : i32, i32, i32
  }
  func.func @transform_6(%arg0: i32, %arg1: i32) -> (i32, i32, i32) {
    %c0_i32 = arith.constant 0 : i32
    %c0_i32_0 = arith.constant 0 : i32
    return %arg0, %arg1, %c0_i32 : i32, i32, i32
  }
  func.func @transform_7(%arg0: i32, %arg1: i32) -> (i32, i32, i32, i32) {
    %c0_i32 = arith.constant 0 : i32
    %c0_i32_0 = arith.constant 0 : i32
    %c0_i32_1 = arith.constant 0 : i32
    return %arg0, %c0_i32, %arg1, %c0_i32_0 : i32, i32, i32, i32
  }
}

module attributes {stable_mosaic.version = 14 : i64} {
  func.func @_k3_body(%arg0: i32, %arg1: i32, %arg2: memref<1x16x512x128xf32, #tpu.memory_space<vmem>>, %arg3: memref<1x16x512x3xf32, #tpu.memory_space<vmem>>, %arg4: memref<3x64xf32, #tpu.memory_space<vmem>>, %arg5: memref<1x64xf32, #tpu.memory_space<vmem>>, %arg6: memref<64x64xf32, #tpu.memory_space<vmem>>, %arg7: memref<1x64xf32, #tpu.memory_space<vmem>>, %arg8: memref<64x256xf32, #tpu.memory_space<vmem>>, %arg9: memref<1x256xf32, #tpu.memory_space<vmem>>, %arg10: memref<256x64xf32, #tpu.memory_space<vmem>>, %arg11: memref<1x64xf32, #tpu.memory_space<vmem>>, %arg12: memref<64x256xf32, #tpu.memory_space<vmem>>, %arg13: memref<1x256xf32, #tpu.memory_space<vmem>>, %arg14: memref<1x512x256xf32, #tpu.memory_space<vmem>>) attributes {dimension_semantics = [#tpu.dimension_semantics<arbitrary>, #tpu.dimension_semantics<arbitrary>], iteration_bounds = array<i64: 4, 4>, scalar_prefetch = 0 : i64, scratch_operands = 0 : i64, tpu.core_type = #tpu.core_type<tc>, window_params = [{transform_indices = @transform_0, window_bounds = array<i64: 1, 16, 512, 128>}, {transform_indices = @transform_1, window_bounds = array<i64: 1, 16, 512, 3>}, {pipeline_mode = #tpu.pipeline_mode<synchronous>, transform_indices = @transform_2, window_bounds = array<i64: 3, 64>}, {pipeline_mode = #tpu.pipeline_mode<synchronous>, transform_indices = @transform_3, window_bounds = array<i64: 1, 64>}, {pipeline_mode = #tpu.pipeline_mode<synchronous>, transform_indices = @transform_4, window_bounds = array<i64: 64, 64>}, {pipeline_mode = #tpu.pipeline_mode<synchronous>, transform_indices = @transform_5, window_bounds = array<i64: 1, 64>}, {pipeline_mode = #tpu.pipeline_mode<synchronous>, transform_indices = @transform_6, window_bounds = array<i64: 64, 256>}, {pipeline_mode = #tpu.pipeline_mode<synchronous>, transform_indices = @transform_7, window_bounds = array<i64: 1, 256>}, {pipeline_mode = #tpu.pipeline_mode<synchronous>, transform_indices = @transform_8, window_bounds = array<i64: 256, 64>}, {pipeline_mode = #tpu.pipeline_mode<synchronous>, transform_indices = @transform_9, window_bounds = array<i64: 1, 64>}, {pipeline_mode = #tpu.pipeline_mode<synchronous>, transform_indices = @transform_10, window_bounds = array<i64: 64, 256>}, {pipeline_mode = #tpu.pipeline_mode<synchronous>, transform_indices = @transform_11, window_bounds = array<i64: 1, 256>}, {transform_indices = @transform_12, window_bounds = array<i64: 1, 512, 256>}]} {
    %get3A = arith.constant 0 : index
    %get3A_0 = arith.constant 0 : index
    %get3A_1 = arith.constant 0 : index
    %get3A_2 = arith.constant 0 : index
    %get3A_3 = vector.load %arg2[%get3A, %get3A_0, %get3A_1, %get3A_2] : memref<1x16x512x128xf32, #tpu.memory_space<vmem>>, vector<1x16x512x128xf32>
    %get3A_4 = vector.shape_cast %get3A_3 : vector<1x16x512x128xf32> to vector<16x512x128xf32>
    %reshape3A = vector.shape_cast %get3A_4 : vector<16x512x128xf32> to vector<8192x128xf32>
    %slice3A = vector.extract_strided_slice %reshape3A {offsets = [0, 0], sizes = [8192, 64], strides = [1, 1]} : vector<8192x128xf32> to vector<8192x64xf32>
    %slice3A_5 = vector.extract_strided_slice %reshape3A {offsets = [0, 64], sizes = [8192, 64], strides = [1, 1]} : vector<8192x128xf32> to vector<8192x64xf32>
    %get3A_6 = arith.constant 0 : index
    %get3A_7 = arith.constant 0 : index
    %get3A_8 = arith.constant 0 : index
    %get3A_9 = arith.constant 0 : index
    %get3A_10 = vector.load %arg3[%get3A_6, %get3A_7, %get3A_8, %get3A_9] : memref<1x16x512x3xf32, #tpu.memory_space<vmem>>, vector<1x16x512x3xf32>
    %get3A_11 = vector.shape_cast %get3A_10 : vector<1x16x512x3xf32> to vector<16x512x3xf32>
    %reshape3A_12 = vector.shape_cast %get3A_11 : vector<16x512x3xf32> to vector<8192x3xf32>
    %get3A_13 = arith.constant 0 : index
    %get3A_14 = arith.constant 0 : index
    %get3A_15 = vector.load %arg5[%get3A_13, %get3A_14] : memref<1x64xf32, #tpu.memory_space<vmem>>, vector<1x64xf32>
    %slice3A_16 = vector.extract_strided_slice %reshape3A_12 {offsets = [0, 0], sizes = [8192, 1], strides = [1, 1]} : vector<8192x3xf32> to vector<8192x1xf32>
    %get3A_17 = arith.constant 0 : index
    %get3A_18 = arith.constant 0 : index
    %get3A_19 = vector.load %arg4[%get3A_17, %get3A_18] : memref<3x64xf32, #tpu.memory_space<vmem>>, vector<1x64xf32>
    %mul3A = vector.broadcast %slice3A_16 : vector<8192x1xf32> to vector<8192x64xf32>
    %mul3A_20 = vector.broadcast %get3A_19 : vector<1x64xf32> to vector<8192x64xf32>
    %mul3A_21 = arith.mulf %mul3A, %mul3A_20 : vector<8192x64xf32>
    %add3A = vector.broadcast %get3A_15 : vector<1x64xf32> to vector<8192x64xf32>
    %add3A_22 = arith.addf %add3A, %mul3A_21 : vector<8192x64xf32>
    %slice3A_23 = vector.extract_strided_slice %reshape3A_12 {offsets = [0, 1], sizes = [8192, 1], strides = [1, 1]} : vector<8192x3xf32> to vector<8192x1xf32>
    %get3A_24 = arith.constant 1 : index
    %get3A_25 = arith.constant 0 : index
    %get3A_26 = vector.load %arg4[%get3A_24, %get3A_25] : memref<3x64xf32, #tpu.memory_space<vmem>>, vector<1x64xf32>
    %mul3A_27 = vector.broadcast %slice3A_23 : vector<8192x1xf32> to vector<8192x64xf32>
    %mul3A_28 = vector.broadcast %get3A_26 : vector<1x64xf32> to vector<8192x64xf32>
    %mul3A_29 = arith.mulf %mul3A_27, %mul3A_28 : vector<8192x64xf32>
    %add3A_30 = arith.addf %add3A_22, %mul3A_29 : vector<8192x64xf32>
    %slice3A_31 = vector.extract_strided_slice %reshape3A_12 {offsets = [0, 2], sizes = [8192, 1], strides = [1, 1]} : vector<8192x3xf32> to vector<8192x1xf32>
    %get3A_32 = arith.constant 2 : index
    %get3A_33 = arith.constant 0 : index
    %get3A_34 = vector.load %arg4[%get3A_32, %get3A_33] : memref<3x64xf32, #tpu.memory_space<vmem>>, vector<1x64xf32>
    %mul3A_35 = vector.broadcast %slice3A_31 : vector<8192x1xf32> to vector<8192x64xf32>
    %mul3A_36 = vector.broadcast %get3A_34 : vector<1x64xf32> to vector<8192x64xf32>
    %mul3A_37 = arith.mulf %mul3A_35, %mul3A_36 : vector<8192x64xf32>
    %add3A_38 = arith.addf %add3A_30, %mul3A_37 : vector<8192x64xf32>
    %max3A = arith.constant 0.000000e+00 : f32
    %max3A_39 = vector.broadcast %max3A : f32 to vector<8192x64xf32>
    %max3A_40 = arith.maximumf %add3A_38, %max3A_39 : vector<8192x64xf32>
    %convert_element_type3A = arith.truncf %max3A_40 : vector<8192x64xf32> to vector<8192x64xbf16>
    %get3A_41 = arith.constant 0 : index
    %get3A_42 = arith.constant 0 : index
    %get3A_43 = vector.load %arg6[%get3A_41, %get3A_42] : memref<64x64xf32, #tpu.memory_space<vmem>>, vector<64x64xf32>
    %convert_element_type3A_44 = arith.truncf %get3A_43 : vector<64x64xf32> to vector<64x64xbf16>
    %dot_general3A = arith.constant dense<0.000000e+00> : vector<8192x64xf32>
    %dot_general3A_45 = tpu.matmul %convert_element_type3A, %convert_element_type3A_44, %dot_general3A {dimension_numbers = #tpu.dot_dimension_numbers<[1], [0], [0], [1], [0, 0, 1, 1], [], []>, transpose_lhs_hint = false} : vector<8192x64xbf16>, vector<64x64xbf16>, vector<8192x64xf32> -> vector<8192x64xf32>
    %get3A_46 = arith.constant 0 : index
    %get3A_47 = arith.constant 0 : index
    %get3A_48 = vector.load %arg7[%get3A_46, %get3A_47] : memref<1x64xf32, #tpu.memory_space<vmem>>, vector<1x64xf32>
    %add3A_49 = vector.broadcast %get3A_48 : vector<1x64xf32> to vector<8192x64xf32>
    %add3A_50 = arith.addf %dot_general3A_45, %add3A_49 : vector<8192x64xf32>
    %add3A_51 = arith.addf %slice3A, %add3A_50 : vector<8192x64xf32>
    %convert_element_type3A_52 = arith.truncf %add3A_51 : vector<8192x64xf32> to vector<8192x64xbf16>
    %get3A_53 = arith.constant 0 : index
    %get3A_54 = arith.constant 0 : index
    %get3A_55 = vector.load %arg8[%get3A_53, %get3A_54] : memref<64x256xf32, #tpu.memory_space<vmem>>, vector<64x256xf32>
    %convert_element_type3A_56 = arith.truncf %get3A_55 : vector<64x256xf32> to vector<64x256xbf16>
    %dot_general3A_57 = arith.constant dense<0.000000e+00> : vector<8192x256xf32>
    %dot_general3A_58 = tpu.matmul %convert_element_type3A_52, %convert_element_type3A_56, %dot_general3A_57 {dimension_numbers = #tpu.dot_dimension_numbers<[1], [0], [0], [1], [0, 0, 1, 1], [], []>, transpose_lhs_hint = false} : vector<8192x64xbf16>, vector<64x256xbf16>, vector<8192x256xf32> -> vector<8192x256xf32>
    %get3A_59 = arith.constant 0 : index
    %get3A_60 = arith.constant 0 : index
    %get3A_61 = vector.load %arg9[%get3A_59, %get3A_60] : memref<1x256xf32, #tpu.memory_space<vmem>>, vector<1x256xf32>
    %add3A_62 = vector.broadcast %get3A_61 : vector<1x256xf32> to vector<8192x256xf32>
    %add3A_63 = arith.addf %dot_general3A_58, %add3A_62 : vector<8192x256xf32>
    %max3A_64 = arith.constant 0.000000e+00 : f32
    %max3A_65 = vector.broadcast %max3A_64 : f32 to vector<8192x256xf32>
    %max3A_66 = arith.maximumf %add3A_63, %max3A_65 : vector<8192x256xf32>
    %convert_element_type3A_67 = arith.truncf %max3A_66 : vector<8192x256xf32> to vector<8192x256xbf16>
    %get3A_68 = arith.constant 0 : index
    %get3A_69 = arith.constant 0 : index
    %get3A_70 = vector.load %arg10[%get3A_68, %get3A_69] : memref<256x64xf32, #tpu.memory_space<vmem>>, vector<256x64xf32>
    %convert_element_type3A_71 = arith.truncf %get3A_70 : vector<256x64xf32> to vector<256x64xbf16>
    %dot_general3A_72 = arith.constant dense<0.000000e+00> : vector<8192x64xf32>
    %dot_general3A_73 = tpu.matmul %convert_element_type3A_67, %convert_element_type3A_71, %dot_general3A_72 {dimension_numbers = #tpu.dot_dimension_numbers<[1], [0], [0], [1], [0, 0, 1, 1], [], []>, transpose_lhs_hint = false} : vector<8192x256xbf16>, vector<256x64xbf16>, vector<8192x64xf32> -> vector<8192x64xf32>
    %get3A_74 = arith.constant 0 : index
    %get3A_75 = arith.constant 0 : index
    %get3A_76 = vector.load %arg11[%get3A_74, %get3A_75] : memref<1x64xf32, #tpu.memory_space<vmem>>, vector<1x64xf32>
    %add3A_77 = vector.broadcast %get3A_76 : vector<1x64xf32> to vector<8192x64xf32>
    %add3A_78 = arith.addf %dot_general3A_73, %add3A_77 : vector<8192x64xf32>
    %reduce_max3A = arith.constant dense<0xFF800000> : vector<8192xf32>
    %reduce_max3A_79 = vector.multi_reduction <maximumf>, %add3A_78, %reduce_max3A [1] : vector<8192x64xf32> to vector<8192xf32>
    %broadcast_in_dim3A = vector.shape_cast %reduce_max3A_79 : vector<8192xf32> to vector<8192x1xf32>
    %sub3A = vector.broadcast %broadcast_in_dim3A : vector<8192x1xf32> to vector<8192x64xf32>
    %sub3A_80 = arith.subf %add3A_78, %sub3A : vector<8192x64xf32>
    %exp3A = math.exp %sub3A_80 : vector<8192x64xf32>
    %reduce_sum3A = arith.constant dense<0.000000e+00> : vector<8192xf32>
    %reduce_sum3A_81 = vector.multi_reduction <add>, %exp3A, %reduce_sum3A [1] : vector<8192x64xf32> to vector<8192xf32>
    %broadcast_in_dim3A_82 = vector.shape_cast %reduce_sum3A_81 : vector<8192xf32> to vector<8192x1xf32>
    %div3A = vector.broadcast %broadcast_in_dim3A_82 : vector<8192x1xf32> to vector<8192x64xf32>
    %div3A_83 = arith.divf %exp3A, %div3A : vector<8192x64xf32>
    %mul3A_84 = arith.mulf %div3A_83, %div3A_83 : vector<8192x64xf32>
    %reshape3A_85 = vector.shape_cast %mul3A_84 : vector<8192x64xf32> to vector<16x512x64xf32>
    %reduce_sum3A_86 = arith.constant dense<0.000000e+00> : vector<512x64xf32>
    %reduce_sum3A_87 = vector.multi_reduction <add>, %reshape3A_85, %reduce_sum3A_86 [0] : vector<16x512x64xf32> to vector<512x64xf32>
    %add3A_88 = arith.addf %slice3A_5, %add3A_50 : vector<8192x64xf32>
    %mul3A_89 = arith.mulf %div3A_83, %add3A_88 : vector<8192x64xf32>
    %reshape3A_90 = vector.shape_cast %mul3A_89 : vector<8192x64xf32> to vector<16x512x64xf32>
    %reduce_sum3A_91 = arith.constant dense<0.000000e+00> : vector<512x64xf32>
    %reduce_sum3A_92 = vector.multi_reduction <add>, %reshape3A_90, %reduce_sum3A_91 [0] : vector<16x512x64xf32> to vector<512x64xf32>
    %sqrt3A = math.sqrt %reduce_sum3A_87 : vector<512x64xf32>
    %max3A_93 = arith.constant 9.99999996E-13 : f32
    %max3A_94 = vector.broadcast %max3A_93 : f32 to vector<512x64xf32>
    %max3A_95 = arith.maximumf %sqrt3A, %max3A_94 : vector<512x64xf32>
    %div3A_96 = arith.constant 1.000000e+00 : f32
    %div3A_97 = vector.broadcast %div3A_96 : f32 to vector<512x64xf32>
    %div3A_98 = arith.divf %div3A_97, %max3A_95 : vector<512x64xf32>
    %mul3A_99 = arith.mulf %reduce_sum3A_92, %div3A_98 : vector<512x64xf32>
    %get3A_100 = arith.constant 0 : index
    %get3A_101 = arith.constant 0 : index
    %get3A_102 = vector.load %arg12[%get3A_100, %get3A_101] : memref<64x256xf32, #tpu.memory_space<vmem>>, vector<64x256xf32>
    %dot_general3A_103 = arith.constant dense<0.000000e+00> : vector<512x256xf32>
    %dot_general3A_104 = tpu.matmul %mul3A_99, %get3A_102, %dot_general3A_103 {dimension_numbers = #tpu.dot_dimension_numbers<[1], [0], [0], [1], [0, 0, 1, 1], [], []>, transpose_lhs_hint = false} : vector<512x64xf32>, vector<64x256xf32>, vector<512x256xf32> -> vector<512x256xf32>
    %get3A_105 = arith.constant 0 : index
    %get3A_106 = arith.constant 0 : index
    %get3A_107 = vector.load %arg13[%get3A_105, %get3A_106] : memref<1x256xf32, #tpu.memory_space<vmem>>, vector<1x256xf32>
    %add3A_108 = vector.broadcast %get3A_107 : vector<1x256xf32> to vector<512x256xf32>
    %add3A_109 = arith.addf %dot_general3A_104, %add3A_108 : vector<512x256xf32>
    %swap3A = arith.constant 0 : index
    %swap3A_110 = arith.constant 0 : index
    %swap3A_111 = arith.constant 0 : index
    %swap3A_112 = vector.load %arg14[%swap3A, %swap3A_110, %swap3A_111] : memref<1x512x256xf32, #tpu.memory_space<vmem>>, vector<1x512x256xf32>
    %swap3A_113 = vector.shape_cast %swap3A_112 : vector<1x512x256xf32> to vector<512x256xf32>
    %swap3A_114 = vector.shape_cast %add3A_109 : vector<512x256xf32> to vector<1x512x256xf32>
    tpu.vector_store %arg14[%swap3A, %swap3A_110, %swap3A_111], %swap3A_114 {strides = array<i32>} : memref<1x512x256xf32, #tpu.memory_space<vmem>>, vector<1x512x256xf32>,
    return
  }
  func.func @transform_0(%arg0: i32, %arg1: i32) -> (i32, i32, i32, i32) {
    %c0_i32 = arith.constant 0 : i32
    %c0_i32_0 = arith.constant 0 : i32
    %c0_i32_1 = arith.constant 0 : i32
    return %arg0, %c0_i32, %arg1, %c0_i32_0 : i32, i32, i32, i32
  }
  func.func @transform_1(%arg0: i32, %arg1: i32) -> (i32, i32, i32, i32) {
    %c0_i32 = arith.constant 0 : i32
    %c0_i32_0 = arith.constant 0 : i32
    %c0_i32_1 = arith.constant 0 : i32
    return %arg0, %c0_i32, %arg1, %c0_i32_0 : i32, i32, i32, i32
  }
  func.func @transform_2(%arg0: i32, %arg1: i32) -> (i32, i32) {
    %c0_i32 = arith.constant 0 : i32
    %c0_i32_0 = arith.constant 0 : i32
    %c0_i32_1 = arith.constant 0 : i32
    return %c0_i32, %c0_i32_0 : i32, i32
  }
  func.func @transform_3(%arg0: i32, %arg1: i32) -> (i32, i32) {
    %c0_i32 = arith.constant 0 : i32
    %c0_i32_0 = arith.constant 0 : i32
    %c0_i32_1 = arith.constant 0 : i32
    return %c0_i32, %c0_i32_0 : i32, i32
  }
  func.func @transform_4(%arg0: i32, %arg1: i32) -> (i32, i32) {
    %c0_i32 = arith.constant 0 : i32
    %c0_i32_0 = arith.constant 0 : i32
    %c0_i32_1 = arith.constant 0 : i32
    return %c0_i32, %c0_i32_0 : i32, i32
  }
  func.func @transform_5(%arg0: i32, %arg1: i32) -> (i32, i32) {
    %c0_i32 = arith.constant 0 : i32
    %c0_i32_0 = arith.constant 0 : i32
    %c0_i32_1 = arith.constant 0 : i32
    return %c0_i32, %c0_i32_0 : i32, i32
  }
  func.func @transform_6(%arg0: i32, %arg1: i32) -> (i32, i32) {
    %c0_i32 = arith.constant 0 : i32
    %c0_i32_0 = arith.constant 0 : i32
    %c0_i32_1 = arith.constant 0 : i32
    return %c0_i32, %c0_i32_0 : i32, i32
  }
  func.func @transform_7(%arg0: i32, %arg1: i32) -> (i32, i32) {
    %c0_i32 = arith.constant 0 : i32
    %c0_i32_0 = arith.constant 0 : i32
    %c0_i32_1 = arith.constant 0 : i32
    return %c0_i32, %c0_i32_0 : i32, i32
  }
  func.func @transform_8(%arg0: i32, %arg1: i32) -> (i32, i32) {
    %c0_i32 = arith.constant 0 : i32
    %c0_i32_0 = arith.constant 0 : i32
    %c0_i32_1 = arith.constant 0 : i32
    return %c0_i32, %c0_i32_0 : i32, i32
  }
  func.func @transform_9(%arg0: i32, %arg1: i32) -> (i32, i32) {
    %c0_i32 = arith.constant 0 : i32
    %c0_i32_0 = arith.constant 0 : i32
    %c0_i32_1 = arith.constant 0 : i32
    return %c0_i32, %c0_i32_0 : i32, i32
  }
  func.func @transform_10(%arg0: i32, %arg1: i32) -> (i32, i32) {
    %c0_i32 = arith.constant 0 : i32
    %c0_i32_0 = arith.constant 0 : i32
    %c0_i32_1 = arith.constant 0 : i32
    return %c0_i32, %c0_i32_0 : i32, i32
  }
  func.func @transform_11(%arg0: i32, %arg1: i32) -> (i32, i32) {
    %c0_i32 = arith.constant 0 : i32
    %c0_i32_0 = arith.constant 0 : i32
    %c0_i32_1 = arith.constant 0 : i32
    return %c0_i32, %c0_i32_0 : i32, i32
  }
  func.func @transform_12(%arg0: i32, %arg1: i32) -> (i32, i32, i32) {
    %c0_i32 = arith.constant 0 : i32
    %c0_i32_0 = arith.constant 0 : i32
    return %arg0, %arg1, %c0_i32 : i32, i32, i32
  }
}

</mosaic_0001>

<sc_bundles>
// kernel: kernel.5.cloned.1.call-start
scs
__scs_entry_jumppad:
0x0: {  	(pc) =	sbr.rel $0x88, $3  }
0x1: {  	(tag) =	ssettag $0x0;
	lr =	simm.s32 $0x1  }
0x2: {  	[smem:$0x3F94] =	sst lr;
	_ =	strace $0xD0000000  }
0x3: {  	_ = 	snop  }
0x4: {  	_ = 	snop  }
0x5: {  	_ = 	snop  }
0x6: {  	_ = 	snop  }
0x7: {  	_ = 	snop  }
__scs_overlays_trampoline_lowered:
0x8: {  	[smem:$0x3FA3] =	sst s0  }
0x9: {  	[smem:$0x3FA4] =	sst s1  }
0xa: {  	[smem:$0x3FA5] =	sst s2  }
0xb: {  	[smem:$0x3FA6] =	sst s3  }
0xc: {  	[smem:$0x3FA7] =	sst s4  }
0xd: {  	[smem:$0x3FA8] =	sst s5  }
0xe: {  	[smem:$0x3FA9] =	sst s6  }
0xf: {  	[smem:$0x3FAA] =	sst s7  }
0x10: {  	[smem:$0x3FAB] =	sst s8  }
0x11: {  	[smem:$0x3FAC] =	sst s9;
	s0 =	simm.s32 @!p0 $0x0  }
0x12: {  	s1 =	sld [smem:$0x3F92];
	s0 =	simm.s32 @p0 $0x1  }
0x13: {  	[smem:$0x3FAD] =	sst s0;
	s0 =	simm.s32 @!p1 $0x0  }
0x14: {  	s2 =	sld [smem:$0x3F91];
	s0 =	simm.s32 @p1 $0x1  }
0x15: {  	[smem:$0x3FAE] =	sst s0;
	s0 =	simm.s32 @!p2 $0x0  }
0x16: {  	s3 =	sld [smem:$0x3FDB];
	s0 =	simm.s32 @p2 $0x1  }
0x17: {  	s4 =	simm.s32 $0x1BF5;
	[smem:$0x3FB0] =	sst s0  }
0x18: {  	s0 =	sld [smem:$0x3F93];
	_ =	swait.ge [sflag:s4], $0x0  }
0x19: {  	s7 =	sld [smem:$0x3F94]  }
0x1a: {  	s8 =	sadd.s32 $0xFFFFE003, lr  }
0x1b: {  	s9 =	sadd.s32 $0xFFFFFEF7, lr;
	s5 =	simm.s32 $0xFFFFFFFF;
	p2 =	slt.u32 s8, $0xFFFFF086  }
0x1c: {  	p1 =	slt.u32 s9, $0xF7A;
	s5 =	simm.s32 @!p2 $0x0  }
0x1d: {  	s5 =	simm.s32 @p1 $0x1;
	p0 =	seq.s32 s7, s2  }
0x1e: {  	s7 =	smul.u32 @!p0 $0xF7A, s2;
	p2 =	seq.s32 @!p0 s5, $0x0  }
0x1f: {  	s9 =	smul.u32 $0xF7A, s1;
	s8 =	simm.s32 @!p0 $0x1BF5;
	p2 =	por !p2, p0  }
0x20: {  	[sflag:s8] =	ssyncset.s32 @!p0 $0xFFFFF086;
	s6 =	sadd.s32 @!p0 s3, s7;
	s7 =	simm.s32 @!p0 $0x108  }
0x21: {  	s3 =	sadd.s32 s3, s9;
	s6 =	sadd.s32 @!p0 $0x88, s6;
	s7 =	simm.s32 @p2 $0x1082  }
0x22: {  	[simem:s7], [sflag:s8] =	dma.local @!p0 [hbm:s6], $0xF7A  }
0x23: {  	s9 =	sor.u32 $0xD0000000, s2;
	s6 =	simm.s32 $0x108;
	_ =	swait.ge @!p0 [sflag:s8], $0x0  }
0x24: {  	s3 =	sadd.s32 $0x88, s3;
	s6 =	simm.s32 @!p1 $0x1082;
	[sflag:s4] =	ssyncset.s32 $0xFFFFF086  }
0x25: {  	[simem:s6], [sflag:s4] =	dma.local [hbm:s3], $0xF7A  }
0x26: {  	[smem:$0x3F94] =	sst s1;
	(tag) =	ssettag s2;
	_ =	strace s9  }
0x27: {  	s1 =	sld [smem:$0x3FA4]  }
0x28: {  	s2 =	sld [smem:$0x3FA5]  }
0x29: {  	s4 =	sld [smem:$0x3FA7]  }
0x2a: {  	p0 =	seq.s32 s5, $0x0;
	s5 =	sld [smem:$0x3FA8]  }
0x2b: {  	s6 =	sld [smem:$0x3FA9]  }
0x2c: {  	s7 =	sld [smem:$0x3FAA]  }
0x2d: {  	s3 =	simm.s32 $0x108;
	s8 =	sld [smem:$0x3FAB]  }
0x2e: {  	s3 =	simm.s32 @!p0 $0x1082;
	s9 =	sld [smem:$0x3FAC]  }
0x2f: {  	lr =	sadd.s32 s0, s3;
	s0 =	sld [smem:$0x3FA3]  }
0x30: {  	s3 =	sld [smem:$0x3FA6]  }
0x31: {  	[smem:$0x3FAF] =	sst s10  }
0x32: {  	s10 =	sld [smem:$0x3FAD];
	_ =	sdelay $0x3  }
0x33: {  	p0 =	seq.s32 s10, $0x1;
	s10 =	sld [smem:$0x3FAF];
	_ =	sdelay $0x3  }
0x34: {  	[smem:$0x3FAF] =	sst s10  }
0x35: {  	s10 =	sld [smem:$0x3FAE];
	_ =	sdelay $0x3  }
0x36: {  	p1 =	seq.s32 s10, $0x1;
	s10 =	sld [smem:$0x3FAF];
	_ =	sdelay $0x3  }
0x37: {  	[smem:$0x3FAF] =	sst s10  }
0x38: {  	s10 =	sld [smem:$0x3FB0]  }
0x39: {  	_ = 	snop;
	(pc) =	sbr.ind lr, $3  }
0x3a: {  	_ = 	snop  }
0x3b: {  	_ = 	snop  }
0x3c: {  	p2 =	seq.s32 s10, $0x1;
	s10 =	sld [smem:$0x3FAF]  }
0x3d: {  	_ =	shalt  }
0x3e: {  	_ =	shalt  }
0x3f: {  	_ =	shalt  }
0x40: {  	_ =	shalt  }
0x41: {  	_ =	shalt  }
0x42: {  	_ =	shalt  }
0x43: {  	_ =	shalt  }
0x44: {  	_ =	shalt  }
0x45: {  	_ =	shalt  }
0x46: {  	_ =	shalt  }
0x47: {  	_ =	shalt  }
0x48: {  	_ =	shalt  }
0x49: {  	_ =	shalt  }
0x4a: {  	_ =	shalt  }
0x4b: {  	_ =	shalt  }
0x4c: {  	_ =	shalt  }
0x4d: {  	_ =	shalt  }
0x4e: {  	_ =	shalt  }
0x4f: {  	_ =	shalt  }
0x50: {  	_ =	shalt  }
0x51: {  	_ =	shalt  }
0x52: {  	_ =	shalt  }
0x53: {  	_ =	shalt  }
0x54: {  	_ =	shalt  }
0x55: {  	_ =	shalt  }
0x56: {  	_ =	shalt  }
0x57: {  	_ =	shalt  }
0x58: {  	_ =	shalt  }
0x59: {  	_ =	shalt  }
0x5a: {  	_ =	shalt  }
0x5b: {  	_ =	shalt  }
0x5c: {  	_ =	shalt  }
0x5d: {  	_ =	shalt  }
0x5e: {  	_ =	shalt  }
0x5f: {  	_ =	shalt  }
0x60: {  	_ =	shalt  }
0x61: {  	_ =	shalt  }
0x62: {  	_ =	shalt  }
0x63: {  	_ =	shalt  }
0x64: {  	_ =	shalt  }
0x65: {  	_ =	shalt  }
0x66: {  	_ =	shalt  }
0x67: {  	_ =	shalt  }
0x68: {  	_ =	shalt  }
0x69: {  	_ =	shalt  }
0x6a: {  	_ =	shalt  }
0x6b: {  	_ =	shalt  }
0x6c: {  	_ =	shalt  }
0x6d: {  	_ =	shalt  }
0x6e: {  	_ =	shalt  }
0x6f: {  	_ =	shalt  }
0x70: {  	_ =	shalt  }
0x71: {  	_ =	shalt  }
0x72: {  	_ =	shalt  }
0x73: {  	_ =	shalt  }
0x74: {  	_ =	shalt  }
0x75: {  	_ =	shalt  }
0x76: {  	_ =	shalt  }
0x77: {  	_ =	shalt  }
0x78: {  	_ =	shalt  }
0x79: {  	_ =	shalt  }
0x7a: {  	_ =	shalt  }
0x7b: {  	_ =	shalt  }
0x7c: {  	_ =	shalt  }
0x7d: {  	_ =	shalt  }
0x7e: {  	_ =	shalt  }
0x7f: {  	_ =	shalt  }
0x80: {  	_ =	shalt  }
0x81: {  	_ =	shalt  }
0x82: {  	_ =	shalt  }
0x83: {  	_ =	shalt  }
0x84: {  	_ =	shalt  }
0x85: {  	_ =	shalt  }
0x86: {  	_ =	shalt  }
0x87: {  	_ =	shalt  }
.Lfunc_end0:
.L_simem_size_0:
called_computation_lowered:
.L_overlay_start_0:
0x88: {  	s2 =	sld [smem:$0x3FD9]  }
0x89: {  	s3 =	sld [smem:$0x3FFE];
	_ =	sdelay $0x1  }
0x8a: {  	s1 =	srdreg.scid  }
0x8b: {  	s0 =	sand.u32 $0x1, s1  }
0x8c: {  	s17 =	sshll.u32 s0, $0xA;
	s2 =	sadd.s32 s3, s2  }
0x8d: {  	s2 =	sadd.s32 s2, s17  }
0x8e: {  	[smem:$0x3FBB] =	sst s2  }
0x8f: {  	_ = 	snop  }
0x90: {  	s2 =	sld [smem:$0x3FD0];
	(tm) =	ssettm $0x1  }
0x91: {  	s18 =	sld [smem:$0x3FFB];
	_ =	sdelay $0x3  }
0x92: {  	_ =	strace s18  }
0x93: {  	s3 =	sld [smem:$0x3FFC];
	_ =	sdelay $0x3  }
0x94: {  	_ =	strace s3  }
0x95: {  	s3 =	sld [smem:$0x3FFD];
	_ =	sdelay $0x3  }
0x96: {  	_ =	strace s3  }
0x97: {  	_ =	strace $0x8FFFFFFF  }
0x98: {  	s19 =	sld [smem:$0x3FDB];
	_ =	sdelay $0x1  }
0x99: {  	s4 =	simm.s32 $_scs_section_size  }
0x9a: {  	s5 =	simm.s32 $_size__tile_overlayer_lowered;
	s6 =	simm.s32 $_tile_overlayer_lowered  }
0x9b: {  	s22 =	simm.s32 $0x1BFF;
	s21 =	sshll.u32 s6, $0x1;
	s3 =	sadd.s32 s4, s19  }
0x9c: {  	s7 =	simm.s32 $0x0;
	s20 =	sshll.u32 s5, $0x1;
	s5 =	sadd.s32 s21, s3  }
0x9d: {  	[timem:s7], [sflag:s22] =	dma.local [hbm:s5], s20  }
0x9e: {  	_ =	swait.ge [sflag:s22], s20  }
0x9f: {  	s4 =	ssub.s32 $0x0, s20;
	[sflag:s22] =	ssyncset.done $0x0  }
0xa0: {  	[sflag:s22] =	ssyncadd.s32 s4;
	_ =	sdelay $0x1  }
0xa1: {  	s23 =	simm.s32 $0x1B8B  }
0xa2: {  	_ =	swait.ge [sflag:s23], $0x1  }
0xa3: {  	[sflag:s23] =	ssyncset.done $0x0  }
0xa4: {  	s25 =	simm.s32 $0x1B8E;
	s24 =	sld [smem:$0x3FFE];
	[sflag:s23] =	ssyncadd.s32 $0xFFFFFFFF  }
0xa5: {  	s26 =	simm.s32 $execute0_lowered;
	[smem:$0x3FD2] =	sst s25  }
0xa6: {  	s5 =	sshll.u32 s26, $0x1;
	_ =	strace $0x80000046;
	[dreg:$0x1] =	wrdreg $0xFFFFFFFF  }
0xa7: {  	s28 =	simm.s32 $_size_execute0_lowered;
	s3 =	sadd.s32 s3, s5;
	[dreg:$0x0] =	wrdreg $0x0  }
0xa8: {  	s5 =	sshll.u32 s28, $0x1;
	[dreg:$0x2] =	wrdreg s3  }
0xa9: {  	[dreg:$0x3] =	wrdreg s5  }
0xaa: {  	[dreg:$0x4] =	wrdreg $0xC0  }
0xab: {  	_ =	task [dreg:s7], $0x5FFFF  }
0xac: {  	[dreg:$0x1] =	wrdreg $0xFFFFFFFF  }
0xad: {  	[dreg:$0x0] =	wrdreg $0x60  }
0xae: {  	[dreg:$0x2] =	wrdreg s2  }
0xaf: {  	[dreg:$0x3] =	wrdreg s24  }
0xb0: {  	[dreg:$0x4] =	wrdreg $0x9  }
0xb1: {  	_ =	task.clear_ibuf [dreg:s7], $0x5FFFF;
	_ =	strace $0x90000046  }
0xb2: {  	s29 =	simm.s32 $0x9;
	_ =	strace $0x80000048  }
0xb3: {  	_ =	swait.ge [sflag:s29], $0x1  }
0xb4: {  	[sflag:s29] =	ssyncadd.s32 $0xFFFFFFFF  }
0xb5: {  	_ =	strace $0x90000048  }
0xb6: {  	_ =	sfence  }
0xb7: {  	s30 =	sld [smem:$0x0];
	_ =	sdelay $0x2  }
0xb8: {  	s31 =	sshll.u32 s1, $0xD;
	s1 =	sshrl.u32 s1, $0x2  }
0xb9: {  	s3 =	sand.u32 $0x4000, s31;
	s1 =	sadd.s32 s1, s30  }
0xba: {  	s0 =	sor.u32 s3, s0;
	s1 =	sshll.u32 s1, $0x11  }
0xbb: {  	s0 =	sor.u32 s1, s0  }
0xbc: {  	s0 =	sadd.s32 $0x8F2B, s0  }
0xbd: {  	[sflag:s0] =	ssyncadd.remote.s32 $0x1  }
0xbe: {  	_ =	sfence.sel $0xFFFF  }
0xbf: {  	[dreg:$0x0] =	wrdreg $0xFFFFFFFF;
	(pc) =	sbr.abs _section_cstart, $3  }
0xc0: {  	[dreg:$0x1] =	wrdreg $0xFFFFFFFF  }
0xc1: {  	_ =	task.clear_ibuf [dreg:s7], $0x2FFFF;
	_ =	strace $0x9FFFFFFF  }
0xc2: {  	(tm) =	ssettm $0x7FFFFFFF  }
0xc3: {  	_ =	shalt  }
tec
execute0_lowered:
.L_overlay_start_1:
0x0: {  	(tag) =	ssettag $0x1  }
0x1: {  	s2 =	rddreg [dreg:$0x0]  }
0x2: {  	s4 =	rddreg [dreg:$0x1];
	s3 =	srdreg.scid  }
0x3: {  	s0 =	rddreg [dreg:$0x2];
	s1 =	stileid.u32  }
0x4: {  	s11 =	simm.s32 $0x1000;
	s12 =	simm.s32 $0x5000;
	s13 =	simm.s32 $0x1  }
0x5: {  	s14 =	simm.s32 $0x2;
	s15 =	simm.s32 $0x0;
	s7 =	sand.u32 $0x1, s3  }
0x6: {  	s3 =	simm.s32 $0x0;
	s5 =	sshll.u32 s1, $0xD;
	s9 =	sadd.s32 $0x205E00, s4  }
0x7: {  	s30 =	sshll.u32 s1, $0x11;
	s6 =	sshll.u32 s7, $0xC;
	[smem:$0x7FF] =	sst s3  }
0x8: {  	s8 =	ssub.s32 $0x2, s7;
	s31 =	sshll.u32 s7, $0x10;
	s5 =	sor.u32 s6, s5  }
0x9: {  	_ =	strace $0x80000047;
	s29 =	sshrl.u32 s8, $0x1;
	s6 =	sshrl.u32 s5, $0x3  }
0xa: {  	s8 =	ssub.s32 s8, s29;
	s5 =	sshll.u32 s5, $0x4;
	s6 =	sadd.s32 s6, s4  }
0xb: {  	s10 =	sadd.s32 s9, s5;
	s5 =	smax.u32 s8, $0x1;
	s8 =	sadd.s32 s30, s9  }
0xc: {  	s9 =	simm.s32 $0x3;
	s4 =	sadd.s32 $0x201E00, s6;
	s6 =	sadd.s32 $0xF000, s10  }
0xd: {  	s7 =	sadd.s32 $0xF800, s10;
	s8 =	sadd.s32 s31, s8;
	s10 =	simm.s32 $0x80  }
.LBB2_1:
0xe: {  	[tilespmem:s3], [sflag:$0x3] =	stream.linear.gather [hbm4b:s4+s3], $0x1000, $0x38;
	[tilespmem:$0x9000] =	vst v63  }
0xf: {  	_ =	swait.ge [sflag:s9], $0x1000  }
0x10: {  	[sflag:s9] =	ssyncset.done $0x0  }
0x11: {  	[sflag:s9] =	ssyncadd.s32 $0xFFFFF000  }
0x12: {  	[tilespmem:s11], [sflag:$0x1] =	stream.indirect.gather [hbm4b:s2+s10], $0x80, s3, s10, $0xb8;
	[tilespmem:$0x9000] =	vst v63  }
0x13: {  	_ = 	snop  }
0x14: {  	[tilespmem:s12], [sflag:$0x2] =	stream.indirect.gather [hbm4b:s2+s10], $0x80, s10, s10, $0xb8;
	[tilespmem:$0x9000] =	vst v63  }
0x15: {  	_ =	swait.ge [sflag:s13], $0x4000  }
0x16: {  	[sflag:s13] =	ssyncset.done $0x0  }
0x17: {  	s16 =	sadd.s32 $0x0, s8;
	[sflag:s13] =	ssyncadd.s32 $0xFFFFC000  }
0x18: {  	[hbm4b:s16+s3] =	stream.linear.scatter [tilespmem:s11], [sflag:$0x3], $0x4000, $0x38;
	[tilespmem:$0x9000] =	vst v63  }
0x19: {  	_ =	swait.ge [sflag:s9], $0x4000  }
0x1a: {  	[sflag:s9] =	ssyncset.done $0x0  }
0x1b: {  	s17 =	simm.s32 $0x100;
	[sflag:s9] =	ssyncadd.s32 $0xFFFFC000  }
0x1c: {  	[tilespmem:s11], [sflag:$0x1] =	stream.indirect.gather [hbm4b:s2+s10], $0x80, s17, s10, $0xb8;
	[tilespmem:$0x9000] =	vst v63  }
0x1d: {  	_ =	swait.ge [sflag:s14], $0x4000  }
0x1e: {  	[sflag:s14] =	ssyncset.done $0x0  }
0x1f: {  	s16 =	sadd.s32 $0x800, s16;
	[sflag:s14] =	ssyncadd.s32 $0xFFFFC000  }
0x20: {  	[hbm4b:s16+s3] =	stream.linear.scatter [tilespmem:s12], [sflag:$0x3], $0x4000, $0x38;
	[tilespmem:$0x9000] =	vst v63  }
0x21: {  	_ =	swait.ge [sflag:s9], $0x4000  }
0x22: {  	s18 =	simm.s32 $0x280;
	[sflag:s9] =	ssyncset.done $0x0  }
0x23: {  	s17 =	simm.s32 $0x1000;
	s16 =	simm.s32 $0x180;
	[sflag:s9] =	ssyncadd.s32 $0xFFFFC000  }
.LBB2_2:
0x24: {  	[tilespmem:s12], [sflag:$0x2] =	stream.indirect.gather [hbm4b:s2+s10], $0x80, s16, s10, $0xb8;
	[tilespmem:$0x9000] =	vst v63  }
0x25: {  	s19 =	smov.u32 s17;
	s16 =	smov.u32 s18  }
0x26: {  	p0 =	sne.s32 s17, $0xE000;
	s17 =	sadd.s32 $0x1000, s17;
	_ =	swait.ge [sflag:s13], $0x4000  }
0x27: {  	[sflag:s13] =	ssyncset.done $0x0  }
0x28: {  	s19 =	sadd.s32 s19, s8;
	[sflag:s13] =	ssyncadd.s32 $0xFFFFC000  }
0x29: {  	[hbm4b:s19+s3] =	stream.linear.scatter [tilespmem:s11], [sflag:$0x3], $0x4000, $0x38;
	[tilespmem:$0x9000] =	vst v63  }
0x2a: {  	_ =	swait.ge [sflag:s9], $0x4000  }
0x2b: {  	[sflag:s9] =	ssyncset.done $0x0  }
0x2c: {  	s20 =	sadd.s32 $0xFFFFFF80, s18;
	[sflag:s9] =	ssyncadd.s32 $0xFFFFC000  }
0x2d: {  	[tilespmem:s11], [sflag:$0x1] =	stream.indirect.gather [hbm4b:s2+s10], $0x80, s20, s10, $0xb8;
	[tilespmem:$0x9000] =	vst v63  }
0x2e: {  	_ =	swait.ge [sflag:s14], $0x4000  }
0x2f: {  	[sflag:s14] =	ssyncset.done $0x0  }
.Ltmp0:
0x30: {  	s19 =	sadd.s32 $0x800, s19;
	[sflag:s14] =	ssyncadd.s32 $0xFFFFC000;
	(pc) =	sbr.rel @p0 .LBB2_2-.Ltmp0, $4  }
0x31: {  	[hbm4b:s19+s3] =	stream.linear.scatter [tilespmem:s12], [sflag:$0x3], $0x4000, $0x38;
	[tilespmem:$0x9000] =	vst v63  }
0x32: {  	_ =	swait.ge [sflag:s9], $0x4000  }
0x33: {  	[sflag:s9] =	ssyncset.done $0x0  }
0x34: {  	s18 =	sadd.s32 $0x100, s18;
	[sflag:s9] =	ssyncadd.s32 $0xFFFFC000  }
0x35: {  	[tilespmem:s12], [sflag:$0x2] =	stream.indirect.gather [hbm4b:s2+s10], $0x80, s16, s10, $0xb8;
	[tilespmem:$0x9000] =	vst v63  }
0x36: {  	_ =	swait.ge [sflag:s13], $0x4000  }
0x37: {  	[sflag:s13] =	ssyncset.done $0x0  }
0x38: {  	[sflag:s13] =	ssyncadd.s32 $0xFFFFC000  }
0x39: {  	[hbm4b:s6+s3] =	stream.linear.scatter [tilespmem:s11], [sflag:$0x3], $0x4000, $0x38;
	[tilespmem:$0x9000] =	vst v63  }
0x3a: {  	_ =	swait.ge [sflag:s9], $0x4000  }
0x3b: {  	[sflag:s9] =	ssyncset.done $0x0  }
0x3c: {  	[sflag:s9] =	ssyncadd.s32 $0xFFFFC000  }
0x3d: {  	s15 =	sadd.s32 $0x1, s15;
	_ =	swait.ge [sflag:s14], $0x4000  }
0x3e: {  	p0 =	sne.s32 s15, s5;
	[sflag:s14] =	ssyncset.done $0x0  }
.Ltmp1:
0x3f: {  	[sflag:s14] =	ssyncadd.s32 $0xFFFFC000;
	(pc) =	sbr.rel @p0 .LBB2_1-.Ltmp1, $4  }
0x40: {  	[hbm4b:s7+s3] =	stream.linear.scatter [tilespmem:s12], [sflag:$0x3], $0x4000, $0x38;
	[tilespmem:$0x9000] =	vst v63  }
0x41: {  	_ =	swait.ge [sflag:s9], $0x4000  }
0x42: {  	[sflag:s9] =	ssyncset.done $0x0  }
0x43: {  	[sflag:s9] =	ssyncadd.s32 $0xFFFFC000  }
0x44: {  	_ =	sfence.sel $0x180000  }
0x45: {  	[bflag:$0x0] =	sbarrier.arrive $0xFFFF  }
0x46: {  	p0 =	sne.s32 s1, $0x0;
	_ =	strace $0x90000047  }
0x47: {  	s0 =	sadd.s32 @!p0 $0x100000, s0;
	[bflag:$0x2] =	sbarrier.arrive $0xFFFF  }
0x48: {  	[sflag:s0] =	ssyncadd.tile.s32 @!p0 $0x1;
	_ =	shalt  }
.Lfunc_end2:
_tile_overlayer_lowered:
.L_overlay_start_2:
0x49: {  	(tag) =	ssettag $0x2  }
0x4a: {  	s0 =	rddreg [dreg:$0x0];
	s2 =	stileid.u32  }
0x4b: {  	s1 =	rddreg [dreg:$0x1];
	p0 =	sne.s32 s2, $0x0  }
0x4c: {  	s3 =	rddreg [dreg:$0x2];
	[bflag:$0x3] =	sbarrier.arrive $0xFFFF;
	s2 =	simm.s32 @!p0 $0x1C03  }
0x4d: {  	[timem:s3], [sflag:s2] =	dma.local @!p0 [hbm:s0], s1  }
0x4e: {  	s0 =	simm.s32 @!p0 $0x3  }
0x4f: {  	_ =	swait.ge @!p0 [sflag:s0], s1  }
0x50: {  	s1 =	ssub.s32 @!p0 $0x0, s1;
	[sflag:s0] =	ssyncset.done @!p0 $0x0  }
0x51: {  	[sflag:s0] =	ssyncadd.s32 @!p0 s1  }
0x52: {  	[bflag:$0x3] =	sbarrier.arrive $0xFFFF  }
0x53: {  	_ =	shalt  }

</sc_bundles>
